<compile_context>
chip_gen: v7x
topology: tpu7x:2x2x1
jax: 0.10.2.dev20260603
libtpu: 0.0.44.dev20260713+nightly
codegen_flags: <defaults>
</compile_context>

<pallas_src>
import functools

import jax
import jax.numpy as jnp
from jax import lax
from jax.experimental import pallas as pl
from jax.experimental.pallas import tpu as pltpu
from jax.experimental.pallas import tpu_sc as plsc

_NC = 2
_NS = 16
_NW = _NC * _NS
_CHUNK = 128
_DEGW = 8
_RING = 12
_LEAD = 4


def _round_up(v, m):
    return (v + m - 1) // m * m


def _make_edge_scatter(n, n_pad, ch, d, col_split):
    rpt = n_pad // _NS
    tpt = n // _NS
    mesh = plsc.VectorSubcoreMesh(core_axis_name="c", subcore_axis_name="s")

    @functools.partial(
        pl.kernel,
        out_type=jax.ShapeDtypeStruct((_NC, n_pad, d), jnp.float32),
        mesh=mesh,
        compiler_params=pltpu.CompilerParams(use_tc_tiling_on_sc=False),
        scratch_types=[
            pltpu.VMEM((ch, _CHUNK), jnp.int32),
            pltpu.VMEM((ch, _CHUNK), jnp.int32),
            pltpu.VMEM((_RING, _CHUNK, d), jnp.float32),
            pltpu.VMEM_SHARED((n_pad, d), jnp.float32),
            pltpu.VMEM_SHARED((n, d), jnp.float32),
            pltpu.SemaphoreType.DMA((_RING,)),
            pltpu.SemaphoreType.DMA((_RING,)),
        ],
    )
    def k(table, srcg, dstg, out, src_idx, dst_idx, rows, acc, tbl,
          gsem, ssem):
        cid = lax.axis_index("c")
        sid = lax.axis_index("s")
        gid = sid if col_split else cid * _NS + sid
        pltpu.sync_copy(srcg.at[gid], src_idx)
        pltpu.sync_copy(dstg.at[gid], dst_idx)
        tsrc = table.at[cid] if col_split else table
        pltpu.sync_copy(tsrc.at[pl.ds(sid * tpt, tpt)],
                        tbl.at[pl.ds(sid * tpt, tpt)])
        zv = jnp.zeros((16,), jnp.float32)

        def zstore(i, carry):
            rows[0, i // (d // 16), pl.ds((i % (d // 16)) * 16, 16)] = zv
            return carry

        lax.fori_loop(0, _CHUNK * d // 16, zstore, 0)

        def zcopy(i, carry):
            pltpu.sync_copy(rows.at[0],
                            acc.at[pl.ds(sid * rpt + i * _CHUNK, _CHUNK)])
            return carry

        lax.fori_loop(0, rpt // _CHUNK, zcopy, 0)
        plsc.subcore_barrier()

        for b0 in range(_LEAD):
            pltpu.async_copy(tbl.at[src_idx.at[b0]], rows.at[b0],
                             gsem.at[b0])

        def step(c, carry):
            bg = lax.rem(c + _LEAD, _RING)

            @pl.when(c + _LEAD < ch)
            def _():
                @pl.when(c >= _RING - _LEAD)
                def _():
                    pltpu.make_async_copy(rows.at[bg],
                                          acc.at[dst_idx.at[c]],
                                          ssem.at[bg]).wait()
                pltpu.async_copy(tbl.at[src_idx.at[c + _LEAD]], rows.at[bg],
                                 gsem.at[bg])

            b = lax.rem(c, _RING)
            pltpu.make_async_copy(tbl.at[src_idx.at[c]], rows.at[b],
                                  gsem.at[b]).wait()
            pltpu.async_copy(rows.at[b], acc.at[dst_idx.at[c]], ssem.at[b],
                             add=True)
            return carry

        lax.fori_loop(0, ch, step, 0)

        def drain(j, carry):
            pltpu.make_async_copy(rows.at[lax.rem(j, _RING)],
                                  acc.at[dst_idx.at[j]],
                                  ssem.at[lax.rem(j, _RING)]).wait()
            return carry

        lax.fori_loop(ch - _RING, ch, drain, 0)
        plsc.subcore_barrier()
        pltpu.sync_copy(acc.at[pl.ds(sid * rpt, rpt)],
                        out.at[cid, pl.ds(sid * rpt, rpt)])

    return k


def _make_deg_scatter(n_pad, ch):
    rpt = n_pad // _NS
    mesh = plsc.VectorSubcoreMesh(core_axis_name="c", subcore_axis_name="s")

    @functools.partial(
        pl.kernel,
        out_type=jax.ShapeDtypeStruct((_NC, n_pad, _DEGW), jnp.float32),
        mesh=mesh,
        compiler_params=pltpu.CompilerParams(use_tc_tiling_on_sc=False),
        scratch_types=[
            pltpu.VMEM((ch, _CHUNK), jnp.int32),
            pltpu.VMEM((_CHUNK, _DEGW), jnp.float32),
            pltpu.VMEM_SHARED((n_pad, _DEGW), jnp.float32),
            pltpu.SemaphoreType.DMA,
        ],
    )
    def k(dstg, ones, zeros, out, dst_idx, ones_buf, acc, ssem):
        cid = lax.axis_index("c")
        sid = lax.axis_index("s")
        wid = cid * _NS + sid
        pltpu.sync_copy(dstg.at[wid], dst_idx)
        pltpu.sync_copy(ones, ones_buf)
        pltpu.sync_copy(zeros.at[pl.ds(sid * rpt, rpt)],
                        acc.at[pl.ds(sid * rpt, rpt)])
        plsc.subcore_barrier()

        def step(c, carry):
            pltpu.async_copy(ones_buf, acc.at[dst_idx.at[c]], ssem, add=True)
            return carry

        lax.fori_loop(0, ch, step, 0)

        def drain(c, carry):
            pltpu.make_async_copy(ones_buf, acc.at[dst_idx.at[c]],
                                  ssem).wait()
            return carry

        lax.fori_loop(0, ch, drain, 0)
        plsc.subcore_barrier()
        pltpu.sync_copy(acc.at[pl.ds(sid * rpt, rpt)],
                        out.at[cid, pl.ds(sid * rpt, rpt)])

    return k


def _tc_xw(x_ref, w1_ref, xw_ref):
    xw_ref[...] = jnp.dot(x_ref[...], w1_ref[...],
                          preferred_element_type=jnp.float32)


def _tc_scale(degp_ref, xw_ref, g1s_ref, dinv_ref):
    dh = xw_ref.shape[1] // 2
    deg = degp_ref[0, :, :1] + degp_ref[1, :, :1] + 1.0
    dinv = lax.rsqrt(deg)
    dinv_ref[...] = dinv
    g1 = xw_ref[...] * dinv
    g1s_ref[0] = g1[:, :dh]
    g1s_ref[1] = g1[:, dh:]


def _tc_mid(p_ref, g1s_ref, dinv_ref, b1_ref, w2_ref, g2_ref):
    n = g1s_ref.shape[1]
    s = jnp.concatenate([p_ref[0, :n] + g1s_ref[0],
                         p_ref[1, :n] + g1s_ref[1]], axis=1)
    h = jnp.maximum(s * dinv_ref[...] + b1_ref[...], 0.0)
    g2_ref[...] = jnp.dot(h, w2_ref[...],
                          preferred_element_type=jnp.float32) * dinv_ref[...]


def _tc_final(p_ref, g2_ref, dinv_ref, b2_ref, o_ref):
    n = g2_ref.shape[0]
    o_ref[...] = ((p_ref[0, :n] + p_ref[1, :n] + g2_ref[...])
                  * dinv_ref[...] + b2_ref[...])


def kernel(x, edge_index, W1, b1, W2, b2):
    n, d_in = x.shape
    e = edge_index.shape[1]
    d_h = W1.shape[1]
    d_out = W2.shape[1]
    n_pad = _round_up(n, 256)
    e_pad = _round_up(e, _NW * _CHUNK)
    ch = e_pad // (_NW * _CHUNK)

    src = edge_index[0]
    dst = edge_index[1]
    pad = e_pad - e
    srcp = jnp.concatenate(
        [src, jnp.zeros((pad,), jnp.int32)]).reshape(_NW, ch, _CHUNK)
    dstp = jnp.concatenate(
        [dst, jnp.full((pad,), n, jnp.int32)]).reshape(_NW, ch, _CHUNK)

    ones = jnp.ones((_CHUNK, _DEGW), jnp.float32)
    z_deg = jnp.zeros((n_pad, _DEGW), jnp.float32)

    degp = _make_deg_scatter(n_pad, ch)(dstp, ones, z_deg)

    nb = 2000
    gr = n // nb
    xw = pl.pallas_call(
        _tc_xw,
        grid=(gr,),
        in_specs=[pl.BlockSpec((nb, d_in), lambda i: (i, 0)),
                  pl.BlockSpec((d_in, d_h), lambda i: (0, 0))],
        out_specs=pl.BlockSpec((nb, d_h), lambda i: (i, 0)),
        out_shape=jax.ShapeDtypeStruct((n, d_h), jnp.float32),
    )(x, W1)

    g1s, dinv = pl.pallas_call(
        _tc_scale,
        grid=(gr,),
        in_specs=[pl.BlockSpec((2, nb, _DEGW), lambda i: (0, i, 0)),
                  pl.BlockSpec((nb, d_h), lambda i: (i, 0))],
        out_specs=(pl.BlockSpec((2, nb, d_h // 2), lambda i: (0, i, 0)),
                   pl.BlockSpec((nb, 1), lambda i: (i, 0))),
        out_shape=(jax.ShapeDtypeStruct((2, n, d_h // 2), jnp.float32),
                   jax.ShapeDtypeStruct((n, 1), jnp.float32)),
    )(degp, xw)

    srcc = srcp.reshape(_NS, 2 * ch, _CHUNK)
    dstc = dstp.reshape(_NS, 2 * ch, _CHUNK)
    p1 = _make_edge_scatter(n, n_pad, 2 * ch, d_h // 2, True)(g1s, srcc, dstc)

    g2 = pl.pallas_call(
        _tc_mid,
        grid=(gr,),
        in_specs=[pl.BlockSpec((2, nb, d_h // 2), lambda i: (0, i, 0)),
                  pl.BlockSpec((2, nb, d_h // 2), lambda i: (0, i, 0)),
                  pl.BlockSpec((nb, 1), lambda i: (i, 0)),
                  pl.BlockSpec((1, d_h), lambda i: (0, 0)),
                  pl.BlockSpec((d_h, d_out), lambda i: (0, 0))],
        out_specs=pl.BlockSpec((nb, d_out), lambda i: (i, 0)),
        out_shape=jax.ShapeDtypeStruct((n, d_out), jnp.float32),
    )(p1, g1s, dinv, b1.reshape(1, d_h), W2)

    p2 = _make_edge_scatter(n, n_pad, ch, d_out, False)(g2, srcp, dstp)

    return pl.pallas_call(
        _tc_final,
        grid=(gr,),
        in_specs=[pl.BlockSpec((2, nb, d_out), lambda i: (0, i, 0)),
                  pl.BlockSpec((nb, d_out), lambda i: (i, 0)),
                  pl.BlockSpec((nb, 1), lambda i: (i, 0)),
                  pl.BlockSpec((1, d_out), lambda i: (0, 0))],
        out_specs=pl.BlockSpec((nb, d_out), lambda i: (i, 0)),
        out_shape=jax.ShapeDtypeStruct((n, d_out), jnp.float32),
    )(p2, g2, dinv, b2.reshape(1, d_out))

# --- scband reference (transcript-rebuilt; emitter-appended) ---
"""Pipeline reference for scband-player-interaction-gcn-46583215292450 (READ-ONLY COPY).

The authoritative reference and input builder live on the scoring server;
editing this copy changes nothing except your own understanding.
"""

import jax, jax.numpy as jnp
import numpy as np

N = 10000
E = 320000
D_IN, D_H, D_OUT = 128, 64, 32


def setup_inputs(seed: int = 0) -> dict:
    key = jax.random.key(seed)
    ks = jax.random.split(key, 6)
    x = jax.random.normal(ks[0], (N, D_IN), dtype=jnp.float32)
    edge_index = jax.random.randint(ks[1], (2, E), 0, N, dtype=jnp.int32)
    W1 = jax.random.normal(ks[2], (D_IN, D_H), dtype=jnp.float32) * (1.0 / np.sqrt(D_IN))
    b1 = jnp.zeros((D_H,), dtype=jnp.float32)
    W2 = jax.random.normal(ks[3], (D_H, D_OUT), dtype=jnp.float32) * (1.0 / np.sqrt(D_H))
    b2 = jnp.zeros((D_OUT,), dtype=jnp.float32)
    return {"x": x, "edge_index": edge_index, "W1": W1, "b1": b1, "W2": W2, "b2": b2}


def _gcn_conv(x, src, dst, norm, W, b):
    # PyG GCNConv: x' = D^{-1/2} (A + I) D^{-1/2} X W + b (self-loops already in src/dst)
    h = x @ W
    msg = h[src] * norm[:, None]
    out = jnp.zeros((N, h.shape[1]), dtype=h.dtype).at[dst].add(msg)
    return out + b


def reference(x, edge_index, W1, b1, W2, b2):
    loop = jnp.arange(N, dtype=edge_index.dtype)
    src = jnp.concatenate([edge_index[0], loop])
    dst = jnp.concatenate([edge_index[1], loop])
    deg = jnp.zeros((N,), dtype=jnp.float32).at[dst].add(1.0)
    dinv = jnp.where(deg > 0, 1.0 / jnp.sqrt(deg), 0.0)
    norm = dinv[src] * dinv[dst]
    h = _gcn_conv(x, src, dst, norm, W1, b1)
    h = jax.nn.relu(h)
    # dropout(p=0.2) is identity in eval mode
    out = _gcn_conv(h, src, dst, norm, W2, b2)
    return out

if __name__ == "__main__":
    import jax
    _d = setup_inputs()
    print(jax.jit(kernel)(*tuple(_d.values())))

</pallas_src>

<mosaic_0001>
#map = affine_map<(d0, d1) -> (0, 0, 0)>
#map1 = affine_map<(d0, d1) -> (0, 0)>
module attributes {stable_mosaic.version = 14 : i64} {
  func.func @k(%arg0: i32, %arg1: i32, %arg2: memref<32x79x128xi32, #tpu.memory_space<hbm>>, %arg3: memref<128x8xf32, #tpu.memory_space<hbm>>, %arg4: memref<10240x8xf32, #tpu.memory_space<hbm>>, %arg5: memref<2x10240x8xf32, #tpu.memory_space<hbm>>, %arg6: memref<79x128xi32, #tpu.memory_space<vmem>>, %arg7: memref<128x8xf32, #tpu.memory_space<vmem>>, %arg8: memref<10240x8xf32, #tpu.memory_space<vmem_shared>>, %arg9: memref<!tpu.dma_semaphore, #tpu.memory_space<semaphore_mem>>) attributes {dimension_semantics = [#tpu.dimension_semantics<core_parallel>, #tpu.dimension_semantics<subcore_parallel>], iteration_bounds = array<i64: 2, 16>, scalar_prefetch = 0 : i64, scratch_operands = 4 : i64, tpu.core_type = #tpu.core_type<sc_vector_subcore>, window_params = [{transform_indices = #map}, {transform_indices = #map1}, {transform_indices = #map1}, {transform_indices = #map}]} {
    %mul3A = arith.constant 16 : i32
    %mul3A_0 = arith.muli %arg0, %mul3A : i32
    %add3A = arith.addi %mul3A_0, %arg1 : i32
    "tpu.region"() ({
      %run_scoped3A = tpu.sem_alloc : memref<!tpu.dma_semaphore, #tpu.memory_space<semaphore_mem>>
      %dma_start3A = arith.constant 0 : i32
      %dma_start3A_21 = arith.constant 0 : i32
      %dma_start3A_22 = tpu.memref_slice %arg2[%add3A, %dma_start3A, %dma_start3A_21] : memref<32x79x128xi32, #tpu.memory_space<hbm>> -> memref<1x79x128xi32, #tpu.memory_space<hbm>>
      %dma_start3A_23 = tpu.memref_squeeze %dma_start3A_22 : memref<1x79x128xi32, #tpu.memory_space<hbm>> -> memref<79x128xi32, #tpu.memory_space<hbm>>
      %dma_start3A_24 = arith.constant 0 : i32
      %dma_start3A_25 = arith.constant 0 : i32
      %dma_start3A_26 = tpu.memref_slice %arg2[%add3A, %dma_start3A_24, %dma_start3A_25] : memref<32x79x128xi32, #tpu.memory_space<hbm>> -> memref<1x79x128xi32, #tpu.memory_space<hbm>>
      %dma_start3A_27 = tpu.memref_squeeze %dma_start3A_26 : memref<1x79x128xi32, #tpu.memory_space<hbm>> -> memref<79x128xi32, #tpu.memory_space<hbm>>
      tpu.enqueue_dma source(%dma_start3A_27 : memref<79x128xi32, #tpu.memory_space<hbm>>) target(%arg6 : memref<79x128xi32, #tpu.memory_space<vmem>>) target_semaphore(%run_scoped3A : memref<!tpu.dma_semaphore, #tpu.memory_space<semaphore_mem>>)
      %dma_wait3A = arith.constant 0 : i32
      %dma_wait3A_28 = arith.constant 0 : i32
      %dma_wait3A_29 = tpu.memref_slice %arg2[%add3A, %dma_wait3A, %dma_wait3A_28] : memref<32x79x128xi32, #tpu.memory_space<hbm>> -> memref<1x79x128xi32, #tpu.memory_space<hbm>>
      %dma_wait3A_30 = tpu.memref_squeeze %dma_wait3A_29 : memref<1x79x128xi32, #tpu.memory_space<hbm>> -> memref<79x128xi32, #tpu.memory_space<hbm>>
      %dma_wait3A_31 = arith.constant 0 : i32
      %dma_wait3A_32 = arith.constant 0 : i32
      %dma_wait3A_33 = tpu.memref_slice %arg2[%add3A, %dma_wait3A_31, %dma_wait3A_32] : memref<32x79x128xi32, #tpu.memory_space<hbm>> -> memref<1x79x128xi32, #tpu.memory_space<hbm>>
      %dma_wait3A_34 = tpu.memref_squeeze %dma_wait3A_33 : memref<1x79x128xi32, #tpu.memory_space<hbm>> -> memref<79x128xi32, #tpu.memory_space<hbm>>
      tpu.wait_dma2 semaphore(%run_scoped3A : memref<!tpu.dma_semaphore, #tpu.memory_space<semaphore_mem>>) src(%dma_wait3A_34 : memref<79x128xi32, #tpu.memory_space<hbm>>) dst(%arg6 : memref<79x128xi32, #tpu.memory_space<vmem>>)
      tpu.yield
    }) : () -> ()
    "tpu.region"() ({
      %run_scoped3A = tpu.sem_alloc : memref<!tpu.dma_semaphore, #tpu.memory_space<semaphore_mem>>
      tpu.enqueue_dma source(%arg3 : memref<128x8xf32, #tpu.memory_space<hbm>>) target(%arg7 : memref<128x8xf32, #tpu.memory_space<vmem>>) target_semaphore(%run_scoped3A : memref<!tpu.dma_semaphore, #tpu.memory_space<semaphore_mem>>)
      tpu.wait_dma2 semaphore(%run_scoped3A : memref<!tpu.dma_semaphore, #tpu.memory_space<semaphore_mem>>) src(%arg3 : memref<128x8xf32, #tpu.memory_space<hbm>>) dst(%arg7 : memref<128x8xf32, #tpu.memory_space<vmem>>)
      tpu.yield
    }) : () -> ()
    %mul3A_1 = arith.constant 640 : i32
    %mul3A_2 = arith.muli %arg1, %mul3A_1 : i32
    %mul3A_3 = arith.constant 640 : i32
    %mul3A_4 = arith.muli %arg1, %mul3A_3 : i32
    "tpu.region"() ({
      %run_scoped3A = tpu.sem_alloc : memref<!tpu.dma_semaphore, #tpu.memory_space<semaphore_mem>>
      %dma_start3A = arith.constant 0 : i32
      %dma_start3A_21 = tpu.memref_slice %arg8[%mul3A_4, %dma_start3A] : memref<10240x8xf32, #tpu.memory_space<vmem_shared>> -> memref<640x8xf32, #tpu.memory_space<vmem_shared>>
      %dma_start3A_22 = arith.constant 0 : i32
      %dma_start3A_23 = tpu.memref_slice %arg4[%mul3A_2, %dma_start3A_22] : memref<10240x8xf32, #tpu.memory_space<hbm>> -> memref<640x8xf32, #tpu.memory_space<hbm>>
      tpu.enqueue_dma source(%dma_start3A_23 : memref<640x8xf32, #tpu.memory_space<hbm>>) target(%dma_start3A_21 : memref<640x8xf32, #tpu.memory_space<vmem_shared>>) target_semaphore(%run_scoped3A : memref<!tpu.dma_semaphore, #tpu.memory_space<semaphore_mem>>)
      %dma_wait3A = arith.constant 0 : i32
      %dma_wait3A_24 = tpu.memref_slice %arg8[%mul3A_4, %dma_wait3A] : memref<10240x8xf32, #tpu.memory_space<vmem_shared>> -> memref<640x8xf32, #tpu.memory_space<vmem_shared>>
      %dma_wait3A_25 = arith.constant 0 : i32
      %dma_wait3A_26 = tpu.memref_slice %arg4[%mul3A_2, %dma_wait3A_25] : memref<10240x8xf32, #tpu.memory_space<hbm>> -> memref<640x8xf32, #tpu.memory_space<hbm>>
      tpu.wait_dma2 semaphore(%run_scoped3A : memref<!tpu.dma_semaphore, #tpu.memory_space<semaphore_mem>>) src(%dma_wait3A_26 : memref<640x8xf32, #tpu.memory_space<hbm>>) dst(%dma_wait3A_24 : memref<640x8xf32, #tpu.memory_space<vmem_shared>>)
      tpu.yield
    }) : () -> ()
    %barrier3A = arith.constant 0 : index
    tpu.barrier barrier_id(%barrier3A)
    %scan3A = arith.constant 0 : i32
    %scan3A_5 = arith.constant 0 : i32
    %scan3A_6 = arith.constant 79 : i32
    %scan3A_7 = arith.addi %scan3A_5, %scan3A_6 : i32
    %scan3A_8 = arith.constant 1 : i32
    scf.for %scan3A_21 = %scan3A_5 to %scan3A_7 step %scan3A_8  : i32 {
      %dma_start3A = arith.constant 0 : i32
      %dma_start3A_22 = tpu.memref_slice %arg6[%scan3A_21, %dma_start3A] : memref<79x128xi32, #tpu.memory_space<vmem>> -> memref<1x128xi32, #tpu.memory_space<vmem>>
      %dma_start3A_23 = tpu.memref_squeeze %dma_start3A_22 : memref<1x128xi32, #tpu.memory_space<vmem>> -> memref<128xi32, #tpu.memory_space<vmem>>
      %dma_start3A_24 = arith.constant 0 : i32
      %dma_start3A_25 = arith.constant 0 : i32
      %dma_start3A_26 = tpu.memref_slice %arg8[%dma_start3A_24, %dma_start3A_25] : memref<10240x8xf32, #tpu.memory_space<vmem_shared>> -> memref<10240x8xf32, #tpu.memory_space<vmem_shared>>
      tpu.enqueue_indirect_dma source(%arg7 : memref<128x8xf32, #tpu.memory_space<vmem>>) target(%dma_start3A_26 : memref<10240x8xf32, #tpu.memory_space<vmem_shared>>) offsets(%dma_start3A_23 : memref<128xi32, #tpu.memory_space<vmem>>) semaphore(%arg9 : memref<!tpu.dma_semaphore, #tpu.memory_space<semaphore_mem>>) {add = true}
    }
    %scan3A_9 = arith.constant 79 : i32
    %scan3A_10 = arith.constant 0 : i32
    %scan3A_11 = arith.constant 0 : i32
    %scan3A_12 = arith.constant 79 : i32
    %scan3A_13 = arith.addi %scan3A_11, %scan3A_12 : i32
    %scan3A_14 = arith.constant 1 : i32
    scf.for %scan3A_21 = %scan3A_11 to %scan3A_13 step %scan3A_14  : i32 {
      %dma_wait3A = arith.constant 0 : i32
      %dma_wait3A_22 = tpu.memref_slice %arg6[%scan3A_21, %dma_wait3A] : memref<79x128xi32, #tpu.memory_space<vmem>> -> memref<1x128xi32, #tpu.memory_space<vmem>>
      %dma_wait3A_23 = tpu.memref_squeeze %dma_wait3A_22 : memref<1x128xi32, #tpu.memory_space<vmem>> -> memref<128xi32, #tpu.memory_space<vmem>>
      %dma_wait3A_24 = arith.constant 0 : i32
      %dma_wait3A_25 = arith.constant 0 : i32
      %dma_wait3A_26 = tpu.memref_slice %arg8[%dma_wait3A_24, %dma_wait3A_25] : memref<10240x8xf32, #tpu.memory_space<vmem_shared>> -> memref<10240x8xf32, #tpu.memory_space<vmem_shared>>
      tpu.wait_indirect_dma semaphore(%arg9 : memref<!tpu.dma_semaphore, #tpu.memory_space<semaphore_mem>>) src(%arg7 : memref<128x8xf32, #tpu.memory_space<vmem>>) dst(%dma_wait3A_26 : memref<10240x8xf32, #tpu.memory_space<vmem_shared>>)
    }
    %scan3A_15 = arith.constant 79 : i32
    %barrier3A_16 = arith.constant 0 : index
    tpu.barrier barrier_id(%barrier3A_16)
    %mul3A_17 = arith.constant 640 : i32
    %mul3A_18 = arith.muli %arg1, %mul3A_17 : i32
    %mul3A_19 = arith.constant 640 : i32
    %mul3A_20 = arith.muli %arg1, %mul3A_19 : i32
    "tpu.region"() ({
      %run_scoped3A = tpu.sem_alloc : memref<!tpu.dma_semaphore, #tpu.memory_space<semaphore_mem>>
      %dma_start3A = arith.constant 0 : i32
      %dma_start3A_21 = tpu.memref_slice %arg5[%arg0, %mul3A_20, %dma_start3A] : memref<2x10240x8xf32, #tpu.memory_space<hbm>> -> memref<1x640x8xf32, #tpu.memory_space<hbm>>
      %dma_start3A_22 = tpu.memref_squeeze %dma_start3A_21 : memref<1x640x8xf32, #tpu.memory_space<hbm>> -> memref<640x8xf32, #tpu.memory_space<hbm>>
      %dma_start3A_23 = arith.constant 0 : i32
      %dma_start3A_24 = tpu.memref_slice %arg8[%mul3A_18, %dma_start3A_23] : memref<10240x8xf32, #tpu.memory_space<vmem_shared>> -> memref<640x8xf32, #tpu.memory_space<vmem_shared>>
      tpu.enqueue_dma source(%dma_start3A_24 : memref<640x8xf32, #tpu.memory_space<vmem_shared>>) target(%dma_start3A_22 : memref<640x8xf32, #tpu.memory_space<hbm>>) target_semaphore(%run_scoped3A : memref<!tpu.dma_semaphore, #tpu.memory_space<semaphore_mem>>)
      %dma_wait3A = arith.constant 0 : i32
      %dma_wait3A_25 = tpu.memref_slice %arg5[%arg0, %mul3A_20, %dma_wait3A] : memref<2x10240x8xf32, #tpu.memory_space<hbm>> -> memref<1x640x8xf32, #tpu.memory_space<hbm>>
      %dma_wait3A_26 = tpu.memref_squeeze %dma_wait3A_25 : memref<1x640x8xf32, #tpu.memory_space<hbm>> -> memref<640x8xf32, #tpu.memory_space<hbm>>
      %dma_wait3A_27 = arith.constant 0 : i32
      %dma_wait3A_28 = tpu.memref_slice %arg8[%mul3A_18, %dma_wait3A_27] : memref<10240x8xf32, #tpu.memory_space<vmem_shared>> -> memref<640x8xf32, #tpu.memory_space<vmem_shared>>
      tpu.wait_dma2 semaphore(%run_scoped3A : memref<!tpu.dma_semaphore, #tpu.memory_space<semaphore_mem>>) src(%dma_wait3A_28 : memref<640x8xf32, #tpu.memory_space<vmem_shared>>) dst(%dma_wait3A_26 : memref<640x8xf32, #tpu.memory_space<hbm>>)
      tpu.yield
    }) : () -> ()
    return
  }
}

#map = affine_map<(d0, d1) -> (0, 0)>
#map1 = affine_map<(d0, d1) -> (0, 0, 0)>
module attributes {stable_mosaic.version = 14 : i64} {
  func.func @k(%arg0: i32, %arg1: i32, %arg2: memref<10000x32xf32, #tpu.memory_space<hbm>>, %arg3: memref<32x79x128xi32, #tpu.memory_space<hbm>>, %arg4: memref<32x79x128xi32, #tpu.memory_space<hbm>>, %arg5: memref<2x10240x32xf32, #tpu.memory_space<hbm>>, %arg6: memref<79x128xi32, #tpu.memory_space<vmem>>, %arg7: memref<79x128xi32, #tpu.memory_space<vmem>>, %arg8: memref<12x128x32xf32, #tpu.memory_space<vmem>>, %arg9: memref<10240x32xf32, #tpu.memory_space<vmem_shared>>, %arg10: memref<10000x32xf32, #tpu.memory_space<vmem_shared>>, %arg11: memref<12x!tpu.dma_semaphore, #tpu.memory_space<semaphore_mem>>, %arg12: memref<12x!tpu.dma_semaphore, #tpu.memory_space<semaphore_mem>>) attributes {dimension_semantics = [#tpu.dimension_semantics<core_parallel>, #tpu.dimension_semantics<subcore_parallel>], iteration_bounds = array<i64: 2, 16>, scalar_prefetch = 0 : i64, scratch_operands = 7 : i64, tpu.core_type = #tpu.core_type<sc_vector_subcore>, window_params = [{transform_indices = #map}, {transform_indices = #map1}, {transform_indices = #map1}, {transform_indices = #map1}]} {
    %mul3A = arith.constant 16 : i32
    %mul3A_0 = arith.muli %arg0, %mul3A : i32
    %add3A = arith.addi %mul3A_0, %arg1 : i32
    "tpu.region"() ({
      %run_scoped3A = tpu.sem_alloc : memref<!tpu.dma_semaphore, #tpu.memory_space<semaphore_mem>>
      %dma_start3A_93 = arith.constant 0 : i32
      %dma_start3A_94 = arith.constant 0 : i32
      %dma_start3A_95 = tpu.memref_slice %arg3[%add3A, %dma_start3A_93, %dma_start3A_94] : memref<32x79x128xi32, #tpu.memory_space<hbm>> -> memref<1x79x128xi32, #tpu.memory_space<hbm>>
      %dma_start3A_96 = tpu.memref_squeeze %dma_start3A_95 : memref<1x79x128xi32, #tpu.memory_space<hbm>> -> memref<79x128xi32, #tpu.memory_space<hbm>>
      %dma_start3A_97 = arith.constant 0 : i32
      %dma_start3A_98 = arith.constant 0 : i32
      %dma_start3A_99 = tpu.memref_slice %arg3[%add3A, %dma_start3A_97, %dma_start3A_98] : memref<32x79x128xi32, #tpu.memory_space<hbm>> -> memref<1x79x128xi32, #tpu.memory_space<hbm>>
      %dma_start3A_100 = tpu.memref_squeeze %dma_start3A_99 : memref<1x79x128xi32, #tpu.memory_space<hbm>> -> memref<79x128xi32, #tpu.memory_space<hbm>>
      tpu.enqueue_dma source(%dma_start3A_100 : memref<79x128xi32, #tpu.memory_space<hbm>>) target(%arg6 : memref<79x128xi32, #tpu.memory_space<vmem>>) target_semaphore(%run_scoped3A : memref<!tpu.dma_semaphore, #tpu.memory_space<semaphore_mem>>)
      %dma_wait3A = arith.constant 0 : i32
      %dma_wait3A_101 = arith.constant 0 : i32
      %dma_wait3A_102 = tpu.memref_slice %arg3[%add3A, %dma_wait3A, %dma_wait3A_101] : memref<32x79x128xi32, #tpu.memory_space<hbm>> -> memref<1x79x128xi32, #tpu.memory_space<hbm>>
      %dma_wait3A_103 = tpu.memref_squeeze %dma_wait3A_102 : memref<1x79x128xi32, #tpu.memory_space<hbm>> -> memref<79x128xi32, #tpu.memory_space<hbm>>
      %dma_wait3A_104 = arith.constant 0 : i32
      %dma_wait3A_105 = arith.constant 0 : i32
      %dma_wait3A_106 = tpu.memref_slice %arg3[%add3A, %dma_wait3A_104, %dma_wait3A_105] : memref<32x79x128xi32, #tpu.memory_space<hbm>> -> memref<1x79x128xi32, #tpu.memory_space<hbm>>
      %dma_wait3A_107 = tpu.memref_squeeze %dma_wait3A_106 : memref<1x79x128xi32, #tpu.memory_space<hbm>> -> memref<79x128xi32, #tpu.memory_space<hbm>>
      tpu.wait_dma2 semaphore(%run_scoped3A : memref<!tpu.dma_semaphore, #tpu.memory_space<semaphore_mem>>) src(%dma_wait3A_107 : memref<79x128xi32, #tpu.memory_space<hbm>>) dst(%arg6 : memref<79x128xi32, #tpu.memory_space<vmem>>)
      tpu.yield
    }) : () -> ()
    "tpu.region"() ({
      %run_scoped3A = tpu.sem_alloc : memref<!tpu.dma_semaphore, #tpu.memory_space<semaphore_mem>>
      %dma_start3A_93 = arith.constant 0 : i32
      %dma_start3A_94 = arith.constant 0 : i32
      %dma_start3A_95 = tpu.memref_slice %arg4[%add3A, %dma_start3A_93, %dma_start3A_94] : memref<32x79x128xi32, #tpu.memory_space<hbm>> -> memref<1x79x128xi32, #tpu.memory_space<hbm>>
      %dma_start3A_96 = tpu.memref_squeeze %dma_start3A_95 : memref<1x79x128xi32, #tpu.memory_space<hbm>> -> memref<79x128xi32, #tpu.memory_space<hbm>>
      %dma_start3A_97 = arith.constant 0 : i32
      %dma_start3A_98 = arith.constant 0 : i32
      %dma_start3A_99 = tpu.memref_slice %arg4[%add3A, %dma_start3A_97, %dma_start3A_98] : memref<32x79x128xi32, #tpu.memory_space<hbm>> -> memref<1x79x128xi32, #tpu.memory_space<hbm>>
      %dma_start3A_100 = tpu.memref_squeeze %dma_start3A_99 : memref<1x79x128xi32, #tpu.memory_space<hbm>> -> memref<79x128xi32, #tpu.memory_space<hbm>>
      tpu.enqueue_dma source(%dma_start3A_100 : memref<79x128xi32, #tpu.memory_space<hbm>>) target(%arg7 : memref<79x128xi32, #tpu.memory_space<vmem>>) target_semaphore(%run_scoped3A : memref<!tpu.dma_semaphore, #tpu.memory_space<semaphore_mem>>)
      %dma_wait3A = arith.constant 0 : i32
      %dma_wait3A_101 = arith.constant 0 : i32
      %dma_wait3A_102 = tpu.memref_slice %arg4[%add3A, %dma_wait3A, %dma_wait3A_101] : memref<32x79x128xi32, #tpu.memory_space<hbm>> -> memref<1x79x128xi32, #tpu.memory_space<hbm>>
      %dma_wait3A_103 = tpu.memref_squeeze %dma_wait3A_102 : memref<1x79x128xi32, #tpu.memory_space<hbm>> -> memref<79x128xi32, #tpu.memory_space<hbm>>
      %dma_wait3A_104 = arith.constant 0 : i32
      %dma_wait3A_105 = arith.constant 0 : i32
      %dma_wait3A_106 = tpu.memref_slice %arg4[%add3A, %dma_wait3A_104, %dma_wait3A_105] : memref<32x79x128xi32, #tpu.memory_space<hbm>> -> memref<1x79x128xi32, #tpu.memory_space<hbm>>
      %dma_wait3A_107 = tpu.memref_squeeze %dma_wait3A_106 : memref<1x79x128xi32, #tpu.memory_space<hbm>> -> memref<79x128xi32, #tpu.memory_space<hbm>>
      tpu.wait_dma2 semaphore(%run_scoped3A : memref<!tpu.dma_semaphore, #tpu.memory_space<semaphore_mem>>) src(%dma_wait3A_107 : memref<79x128xi32, #tpu.memory_space<hbm>>) dst(%arg7 : memref<79x128xi32, #tpu.memory_space<vmem>>)
      tpu.yield
    }) : () -> ()
    %mul3A_1 = arith.constant 625 : i32
    %mul3A_2 = arith.muli %arg1, %mul3A_1 : i32
    %mul3A_3 = arith.constant 625 : i32
    %mul3A_4 = arith.muli %arg1, %mul3A_3 : i32
    "tpu.region"() ({
      %run_scoped3A = tpu.sem_alloc : memref<!tpu.dma_semaphore, #tpu.memory_space<semaphore_mem>>
      %dma_start3A_93 = arith.constant 0 : i32
      %dma_start3A_94 = tpu.memref_slice %arg10[%mul3A_4, %dma_start3A_93] : memref<10000x32xf32, #tpu.memory_space<vmem_shared>> -> memref<625x32xf32, #tpu.memory_space<vmem_shared>>
      %dma_start3A_95 = arith.constant 0 : i32
      %dma_start3A_96 = tpu.memref_slice %arg2[%mul3A_2, %dma_start3A_95] : memref<10000x32xf32, #tpu.memory_space<hbm>> -> memref<625x32xf32, #tpu.memory_space<hbm>>
      tpu.enqueue_dma source(%dma_start3A_96 : memref<625x32xf32, #tpu.memory_space<hbm>>) target(%dma_start3A_94 : memref<625x32xf32, #tpu.memory_space<vmem_shared>>) target_semaphore(%run_scoped3A : memref<!tpu.dma_semaphore, #tpu.memory_space<semaphore_mem>>)
      %dma_wait3A = arith.constant 0 : i32
      %dma_wait3A_97 = tpu.memref_slice %arg10[%mul3A_4, %dma_wait3A] : memref<10000x32xf32, #tpu.memory_space<vmem_shared>> -> memref<625x32xf32, #tpu.memory_space<vmem_shared>>
      %dma_wait3A_98 = arith.constant 0 : i32
      %dma_wait3A_99 = tpu.memref_slice %arg2[%mul3A_2, %dma_wait3A_98] : memref<10000x32xf32, #tpu.memory_space<hbm>> -> memref<625x32xf32, #tpu.memory_space<hbm>>
      tpu.wait_dma2 semaphore(%run_scoped3A : memref<!tpu.dma_semaphore, #tpu.memory_space<semaphore_mem>>) src(%dma_wait3A_99 : memref<625x32xf32, #tpu.memory_space<hbm>>) dst(%dma_wait3A_97 : memref<625x32xf32, #tpu.memory_space<vmem_shared>>)
      tpu.yield
    }) : () -> ()
    %broadcast_in_dim3A = arith.constant 0.000000e+00 : f32
    %broadcast_in_dim3A_5 = vector.broadcast %broadcast_in_dim3A : f32 to vector<16xf32>
    %scan3A = arith.constant 0 : i32
    %scan3A_6 = arith.constant 0 : i32
    %scan3A_7 = arith.constant 256 : i32
    %scan3A_8 = arith.addi %scan3A_6, %scan3A_7 : i32
    %scan3A_9 = arith.constant 1 : i32
    scf.for %scan3A_93 = %scan3A_6 to %scan3A_8 step %scan3A_9  : i32 {
      %jit3A = arith.constant 2 : i32
      %div3A = arith.divsi %scan3A_93, %jit3A : i32
      %sign3A = arith.constant 0 : i32
      %sign3A_94 = arith.cmpi sgt, %scan3A_93, %sign3A : i32
      %sign3A_95 = arith.extui %sign3A_94 : i1 to i32
      %sign3A_96 = arith.constant 0 : i32
      %sign3A_97 = arith.cmpi slt, %scan3A_93, %sign3A_96 : i32
      %sign3A_98 = arith.extui %sign3A_97 : i1 to i32
      %sign3A_99 = arith.subi %sign3A_95, %sign3A_98 : i32
      %sign3A_100 = arith.constant 0 : i32
      %sign3A_101 = arith.cmpi sgt, %jit3A, %sign3A_100 : i32
      %sign3A_102 = arith.extui %sign3A_101 : i1 to i32
      %sign3A_103 = arith.constant 0 : i32
      %sign3A_104 = arith.cmpi slt, %jit3A, %sign3A_103 : i32
      %sign3A_105 = arith.extui %sign3A_104 : i1 to i32
      %sign3A_106 = arith.subi %sign3A_102, %sign3A_105 : i32
      %ne3A = arith.cmpi ne, %sign3A_99, %sign3A_106 : i32
      %rem3A = arith.remsi %scan3A_93, %jit3A : i32
      %ne3A_107 = arith.constant 0 : i32
      %ne3A_108 = arith.cmpi ne, %rem3A, %ne3A_107 : i32
      %and3A = arith.andi %ne3A, %ne3A_108 : i1
      %sub3A = arith.constant 1 : i32
      %sub3A_109 = arith.subi %div3A, %sub3A : i32
      %select_n3A = arith.select %and3A, %sub3A_109, %div3A : i32
      %jit3A_110 = arith.constant 2 : i32
      %eq3A = arith.constant 0 : i32
      %eq3A_111 = arith.cmpi eq, %jit3A_110, %eq3A : i32
      %jit3A_112 = arith.constant 1 : i32
      %select_n3A_113 = arith.select %eq3A_111, %jit3A_112, %jit3A_110 : i32
      %rem3A_114 = arith.remsi %scan3A_93, %select_n3A_113 : i32
      %ne3A_115 = arith.constant 0 : i32
      %ne3A_116 = arith.cmpi ne, %rem3A_114, %ne3A_115 : i32
      %lt3A = arith.constant 0 : i32
      %lt3A_117 = arith.cmpi slt, %rem3A_114, %lt3A : i32
      %lt3A_118 = arith.constant 0 : i32
      %lt3A_119 = arith.cmpi slt, %select_n3A_113, %lt3A_118 : i32
      %ne3A_120 = arith.xori %lt3A_117, %lt3A_119 : i1
      %and3A_121 = arith.andi %ne3A_120, %ne3A_116 : i1
      %add3A_122 = arith.addi %rem3A_114, %select_n3A_113 : i32
      %select_n3A_123 = arith.select %and3A_121, %add3A_122, %rem3A_114 : i32
      %mul3A_124 = arith.constant 16 : i32
      %mul3A_125 = arith.muli %select_n3A_123, %mul3A_124 : i32
      %swap3A = arith.constant 0 : i32
      %swap3A_126 = arith.index_cast %swap3A : i32 to index
      %swap3A_127 = arith.index_cast %select_n3A : i32 to index
      %swap3A_128 = arith.index_cast %mul3A_125 : i32 to index
      %swap3A_129 = tpu.vector_load %arg8[%swap3A_126, %swap3A_127, %swap3A_128] {strides = array<i32>} : memref<12x128x32xf32, #tpu.memory_space<vmem>>, vector<1x1x16xf32>,
      %swap3A_130 = vector.shape_cast %swap3A_129 : vector<1x1x16xf32> to vector<16xf32>
      %swap3A_131 = vector.shape_cast %broadcast_in_dim3A_5 : vector<16xf32> to vector<1x1x16xf32>
      tpu.vector_store %arg8[%swap3A_126, %swap3A_127, %swap3A_128], %swap3A_131 {strides = array<i32>} : memref<12x128x32xf32, #tpu.memory_space<vmem>>, vector<1x1x16xf32>,
    }
    %scan3A_10 = arith.constant 256 : i32
    %scan3A_11 = arith.constant 0 : i32
    %scan3A_12 = arith.constant 0 : i32
    %scan3A_13 = arith.constant 5 : i32
    %scan3A_14 = arith.addi %scan3A_12, %scan3A_13 : i32
    %scan3A_15 = arith.constant 1 : i32
    scf.for %scan3A_93 = %scan3A_12 to %scan3A_14 step %scan3A_15  : i32 {
      %mul3A_94 = arith.constant 640 : i32
      %mul3A_95 = arith.muli %arg1, %mul3A_94 : i32
      %mul3A_96 = arith.constant 128 : i32
      %mul3A_97 = arith.muli %scan3A_93, %mul3A_96 : i32
      %add3A_98 = arith.addi %mul3A_95, %mul3A_97 : i32
      %run_scoped3A = arith.constant 0 : i32
      "tpu.region"() ({
        %run_scoped3A_99 = tpu.sem_alloc : memref<!tpu.dma_semaphore, #tpu.memory_space<semaphore_mem>>
        %dma_start3A_100 = arith.constant 0 : i32
        %dma_start3A_101 = arith.constant 0 : i32
        %dma_start3A_102 = tpu.memref_slice %arg8[%run_scoped3A, %dma_start3A_100, %dma_start3A_101] : memref<12x128x32xf32, #tpu.memory_space<vmem>> -> memref<1x128x32xf32, #tpu.memory_space<vmem>>
        %dma_start3A_103 = tpu.memref_squeeze %dma_start3A_102 : memref<1x128x32xf32, #tpu.memory_space<vmem>> -> memref<128x32xf32, #tpu.memory_space<vmem>>
        %dma_start3A_104 = arith.constant 0 : i32
        %dma_start3A_105 = tpu.memref_slice %arg9[%add3A_98, %dma_start3A_104] : memref<10240x32xf32, #tpu.memory_space<vmem_shared>> -> memref<128x32xf32, #tpu.memory_space<vmem_shared>>
        %dma_start3A_106 = arith.constant 0 : i32
        %dma_start3A_107 = tpu.memref_slice %arg9[%add3A_98, %dma_start3A_106] : memref<10240x32xf32, #tpu.memory_space<vmem_shared>> -> memref<128x32xf32, #tpu.memory_space<vmem_shared>>
        %dma_start3A_108 = arith.constant 0 : i32
        %dma_start3A_109 = arith.constant 0 : i32
        %dma_start3A_110 = tpu.memref_slice %arg8[%run_scoped3A, %dma_start3A_108, %dma_start3A_109] : memref<12x128x32xf32, #tpu.memory_space<vmem>> -> memref<1x128x32xf32, #tpu.memory_space<vmem>>
        %dma_start3A_111 = tpu.memref_squeeze %dma_start3A_110 : memref<1x128x32xf32, #tpu.memory_space<vmem>> -> memref<128x32xf32, #tpu.memory_space<vmem>>
        tpu.enqueue_dma source(%dma_start3A_111 : memref<128x32xf32, #tpu.memory_space<vmem>>) target(%dma_start3A_107 : memref<128x32xf32, #tpu.memory_space<vmem_shared>>) target_semaphore(%run_scoped3A_99 : memref<!tpu.dma_semaphore, #tpu.memory_space<semaphore_mem>>)
        %dma_wait3A = arith.constant 0 : i32
        %dma_wait3A_112 = arith.constant 0 : i32
        %dma_wait3A_113 = tpu.memref_slice %arg8[%run_scoped3A, %dma_wait3A, %dma_wait3A_112] : memref<12x128x32xf32, #tpu.memory_space<vmem>> -> memref<1x128x32xf32, #tpu.memory_space<vmem>>
        %dma_wait3A_114 = tpu.memref_squeeze %dma_wait3A_113 : memref<1x128x32xf32, #tpu.memory_space<vmem>> -> memref<128x32xf32, #tpu.memory_space<vmem>>
        %dma_wait3A_115 = arith.constant 0 : i32
        %dma_wait3A_116 = tpu.memref_slice %arg9[%add3A_98, %dma_wait3A_115] : memref<10240x32xf32, #tpu.memory_space<vmem_shared>> -> memref<128x32xf32, #tpu.memory_space<vmem_shared>>
        %dma_wait3A_117 = arith.constant 0 : i32
        %dma_wait3A_118 = tpu.memref_slice %arg9[%add3A_98, %dma_wait3A_117] : memref<10240x32xf32, #tpu.memory_space<vmem_shared>> -> memref<128x32xf32, #tpu.memory_space<vmem_shared>>
        %dma_wait3A_119 = arith.constant 0 : i32
        %dma_wait3A_120 = arith.constant 0 : i32
        %dma_wait3A_121 = tpu.memref_slice %arg8[%run_scoped3A, %dma_wait3A_119, %dma_wait3A_120] : memref<12x128x32xf32, #tpu.memory_space<vmem>> -> memref<1x128x32xf32, #tpu.memory_space<vmem>>
        %dma_wait3A_122 = tpu.memref_squeeze %dma_wait3A_121 : memref<1x128x32xf32, #tpu.memory_space<vmem>> -> memref<128x32xf32, #tpu.memory_space<vmem>>
        tpu.wait_dma2 semaphore(%run_scoped3A_99 : memref<!tpu.dma_semaphore, #tpu.memory_space<semaphore_mem>>) src(%dma_wait3A_122 : memref<128x32xf32, #tpu.memory_space<vmem>>) dst(%dma_wait3A_118 : memref<128x32xf32, #tpu.memory_space<vmem_shared>>)
        tpu.yield
      }) : () -> ()
    }
    %scan3A_16 = arith.constant 5 : i32
    %barrier3A = arith.constant 0 : index
    tpu.barrier barrier_id(%barrier3A)
    %dma_start3A = arith.constant 0 : i32
    %dma_start3A_17 = arith.constant 0 : i32
    %dma_start3A_18 = arith.constant 0 : i32
    %dma_start3A_19 = arith.constant 0 : i32
    %dma_start3A_20 = arith.constant 0 : i32
    %dma_start3A_21 = tpu.memref_slice %arg8[%dma_start3A_17, %dma_start3A_19, %dma_start3A_20] : memref<12x128x32xf32, #tpu.memory_space<vmem>> -> memref<1x128x32xf32, #tpu.memory_space<vmem>>
    %dma_start3A_22 = tpu.memref_squeeze %dma_start3A_21 : memref<1x128x32xf32, #tpu.memory_space<vmem>> -> memref<128x32xf32, #tpu.memory_space<vmem>>
    %dma_start3A_23 = arith.constant 0 : i32
    %dma_start3A_24 = tpu.memref_slice %arg6[%dma_start3A, %dma_start3A_23] : memref<79x128xi32, #tpu.memory_space<vmem>> -> memref<1x128xi32, #tpu.memory_space<vmem>>
    %dma_start3A_25 = tpu.memref_squeeze %dma_start3A_24 : memref<1x128xi32, #tpu.memory_space<vmem>> -> memref<128xi32, #tpu.memory_space<vmem>>
    %dma_start3A_26 = arith.constant 0 : i32
    %dma_start3A_27 = arith.constant 0 : i32
    %dma_start3A_28 = tpu.memref_slice %arg10[%dma_start3A_26, %dma_start3A_27] : memref<10000x32xf32, #tpu.memory_space<vmem_shared>> -> memref<10000x32xf32, #tpu.memory_space<vmem_shared>>
    %dma_start3A_29 = tpu.memref_slice %arg11[%dma_start3A_18] : memref<12x!tpu.dma_semaphore, #tpu.memory_space<semaphore_mem>> -> memref<1x!tpu.dma_semaphore, #tpu.memory_space<semaphore_mem>>
    %dma_start3A_30 = tpu.memref_squeeze %dma_start3A_29 : memref<1x!tpu.dma_semaphore, #tpu.memory_space<semaphore_mem>> -> memref<!tpu.dma_semaphore, #tpu.memory_space<semaphore_mem>>
    tpu.enqueue_indirect_dma source(%dma_start3A_28 : memref<10000x32xf32, #tpu.memory_space<vmem_shared>>) target(%dma_start3A_22 : memref<128x32xf32, #tpu.memory_space<vmem>>) offsets(%dma_start3A_25 : memref<128xi32, #tpu.memory_space<vmem>>) semaphore(%dma_start3A_30 : memref<!tpu.dma_semaphore, #tpu.memory_space<semaphore_mem>>)
    %dma_start3A_31 = arith.constant 1 : i32
    %dma_start3A_32 = arith.constant 1 : i32
    %dma_start3A_33 = arith.constant 1 : i32
    %dma_start3A_34 = arith.constant 0 : i32
    %dma_start3A_35 = arith.constant 0 : i32
    %dma_start3A_36 = tpu.memref_slice %arg8[%dma_start3A_32, %dma_start3A_34, %dma_start3A_35] : memref<12x128x32xf32, #tpu.memory_space<vmem>> -> memref<1x128x32xf32, #tpu.memory_space<vmem>>
    %dma_start3A_37 = tpu.memref_squeeze %dma_start3A_36 : memref<1x128x32xf32, #tpu.memory_space<vmem>> -> memref<128x32xf32, #tpu.memory_space<vmem>>
    %dma_start3A_38 = arith.constant 0 : i32
    %dma_start3A_39 = tpu.memref_slice %arg6[%dma_start3A_31, %dma_start3A_38] : memref<79x128xi32, #tpu.memory_space<vmem>> -> memref<1x128xi32, #tpu.memory_space<vmem>>
    %dma_start3A_40 = tpu.memref_squeeze %dma_start3A_39 : memref<1x128xi32, #tpu.memory_space<vmem>> -> memref<128xi32, #tpu.memory_space<vmem>>
    %dma_start3A_41 = arith.constant 0 : i32
    %dma_start3A_42 = arith.constant 0 : i32
    %dma_start3A_43 = tpu.memref_slice %arg10[%dma_start3A_41, %dma_start3A_42] : memref<10000x32xf32, #tpu.memory_space<vmem_shared>> -> memref<10000x32xf32, #tpu.memory_space<vmem_shared>>
    %dma_start3A_44 = tpu.memref_slice %arg11[%dma_start3A_33] : memref<12x!tpu.dma_semaphore, #tpu.memory_space<semaphore_mem>> -> memref<1x!tpu.dma_semaphore, #tpu.memory_space<semaphore_mem>>
    %dma_start3A_45 = tpu.memref_squeeze %dma_start3A_44 : memref<1x!tpu.dma_semaphore, #tpu.memory_space<semaphore_mem>> -> memref<!tpu.dma_semaphore, #tpu.memory_space<semaphore_mem>>
    tpu.enqueue_indirect_dma source(%dma_start3A_43 : memref<10000x32xf32, #tpu.memory_space<vmem_shared>>) target(%dma_start3A_37 : memref<128x32xf32, #tpu.memory_space<vmem>>) offsets(%dma_start3A_40 : memref<128xi32, #tpu.memory_space<vmem>>) semaphore(%dma_start3A_45 : memref<!tpu.dma_semaphore, #tpu.memory_space<semaphore_mem>>)
    %dma_start3A_46 = arith.constant 2 : i32
    %dma_start3A_47 = arith.constant 2 : i32
    %dma_start3A_48 = arith.constant 2 : i32
    %dma_start3A_49 = arith.constant 0 : i32
    %dma_start3A_50 = arith.constant 0 : i32
    %dma_start3A_51 = tpu.memref_slice %arg8[%dma_start3A_47, %dma_start3A_49, %dma_start3A_50] : memref<12x128x32xf32, #tpu.memory_space<vmem>> -> memref<1x128x32xf32, #tpu.memory_space<vmem>>
    %dma_start3A_52 = tpu.memref_squeeze %dma_start3A_51 : memref<1x128x32xf32, #tpu.memory_space<vmem>> -> memref<128x32xf32, #tpu.memory_space<vmem>>
    %dma_start3A_53 = arith.constant 0 : i32
    %dma_start3A_54 = tpu.memref_slice %arg6[%dma_start3A_46, %dma_start3A_53] : memref<79x128xi32, #tpu.memory_space<vmem>> -> memref<1x128xi32, #tpu.memory_space<vmem>>
    %dma_start3A_55 = tpu.memref_squeeze %dma_start3A_54 : memref<1x128xi32, #tpu.memory_space<vmem>> -> memref<128xi32, #tpu.memory_space<vmem>>
    %dma_start3A_56 = arith.constant 0 : i32
    %dma_start3A_57 = arith.constant 0 : i32
    %dma_start3A_58 = tpu.memref_slice %arg10[%dma_start3A_56, %dma_start3A_57] : memref<10000x32xf32, #tpu.memory_space<vmem_shared>> -> memref<10000x32xf32, #tpu.memory_space<vmem_shared>>
    %dma_start3A_59 = tpu.memref_slice %arg11[%dma_start3A_48] : memref<12x!tpu.dma_semaphore, #tpu.memory_space<semaphore_mem>> -> memref<1x!tpu.dma_semaphore, #tpu.memory_space<semaphore_mem>>
    %dma_start3A_60 = tpu.memref_squeeze %dma_start3A_59 : memref<1x!tpu.dma_semaphore, #tpu.memory_space<semaphore_mem>> -> memref<!tpu.dma_semaphore, #tpu.memory_space<semaphore_mem>>
    tpu.enqueue_indirect_dma source(%dma_start3A_58 : memref<10000x32xf32, #tpu.memory_space<vmem_shared>>) target(%dma_start3A_52 : memref<128x32xf32, #tpu.memory_space<vmem>>) offsets(%dma_start3A_55 : memref<128xi32, #tpu.memory_space<vmem>>) semaphore(%dma_start3A_60 : memref<!tpu.dma_semaphore, #tpu.memory_space<semaphore_mem>>)
    %dma_start3A_61 = arith.constant 3 : i32
    %dma_start3A_62 = arith.constant 3 : i32
    %dma_start3A_63 = arith.constant 3 : i32
    %dma_start3A_64 = arith.constant 0 : i32
    %dma_start3A_65 = arith.constant 0 : i32
    %dma_start3A_66 = tpu.memref_slice %arg8[%dma_start3A_62, %dma_start3A_64, %dma_start3A_65] : memref<12x128x32xf32, #tpu.memory_space<vmem>> -> memref<1x128x32xf32, #tpu.memory_space<vmem>>
    %dma_start3A_67 = tpu.memref_squeeze %dma_start3A_66 : memref<1x128x32xf32, #tpu.memory_space<vmem>> -> memref<128x32xf32, #tpu.memory_space<vmem>>
    %dma_start3A_68 = arith.constant 0 : i32
    %dma_start3A_69 = tpu.memref_slice %arg6[%dma_start3A_61, %dma_start3A_68] : memref<79x128xi32, #tpu.memory_space<vmem>> -> memref<1x128xi32, #tpu.memory_space<vmem>>
    %dma_start3A_70 = tpu.memref_squeeze %dma_start3A_69 : memref<1x128xi32, #tpu.memory_space<vmem>> -> memref<128xi32, #tpu.memory_space<vmem>>
    %dma_start3A_71 = arith.constant 0 : i32
    %dma_start3A_72 = arith.constant 0 : i32
    %dma_start3A_73 = tpu.memref_slice %arg10[%dma_start3A_71, %dma_start3A_72] : memref<10000x32xf32, #tpu.memory_space<vmem_shared>> -> memref<10000x32xf32, #tpu.memory_space<vmem_shared>>
    %dma_start3A_74 = tpu.memref_slice %arg11[%dma_start3A_63] : memref<12x!tpu.dma_semaphore, #tpu.memory_space<semaphore_mem>> -> memref<1x!tpu.dma_semaphore, #tpu.memory_space<semaphore_mem>>
    %dma_start3A_75 = tpu.memref_squeeze %dma_start3A_74 : memref<1x!tpu.dma_semaphore, #tpu.memory_space<semaphore_mem>> -> memref<!tpu.dma_semaphore, #tpu.memory_space<semaphore_mem>>
    tpu.enqueue_indirect_dma source(%dma_start3A_73 : memref<10000x32xf32, #tpu.memory_space<vmem_shared>>) target(%dma_start3A_67 : memref<128x32xf32, #tpu.memory_space<vmem>>) offsets(%dma_start3A_70 : memref<128xi32, #tpu.memory_space<vmem>>) semaphore(%dma_start3A_75 : memref<!tpu.dma_semaphore, #tpu.memory_space<semaphore_mem>>)
    %scan3A_76 = arith.constant 0 : i32
    %scan3A_77 = arith.constant 0 : i32
    %scan3A_78 = arith.constant 79 : i32
    %scan3A_79 = arith.addi %scan3A_77, %scan3A_78 : i32
    %scan3A_80 = arith.constant 1 : i32
    scf.for %scan3A_93 = %scan3A_77 to %scan3A_79 step %scan3A_80  : i32 {
      %add3A_94 = arith.constant 4 : i32
      %add3A_95 = arith.addi %scan3A_93, %add3A_94 : i32
      %rem3A = arith.constant 12 : i32
      %rem3A_96 = arith.remsi %add3A_95, %rem3A : i32
      %add3A_97 = arith.constant 4 : i32
      %add3A_98 = arith.addi %scan3A_93, %add3A_97 : i32
      %lt3A = arith.constant 79 : i32
      %lt3A_99 = arith.cmpi slt, %add3A_98, %lt3A : i32
      %convert_element_type3A = arith.extui %lt3A_99 : i1 to i32
      %cond3A = arith.constant 0 : i32
      %cond3A_100 = arith.cmpi ne, %convert_element_type3A, %cond3A : i32
      scf.if %cond3A_100 {
        %ge3A = arith.constant 8 : i32
        %ge3A_126 = arith.cmpi sge, %scan3A_93, %ge3A : i32
        %convert_element_type3A_127 = arith.extui %ge3A_126 : i1 to i32
        %cond3A_128 = arith.constant 0 : i32
        %cond3A_129 = arith.cmpi ne, %convert_element_type3A_127, %cond3A_128 : i32
        scf.if %cond3A_129 {
          %dma_wait3A_144 = arith.constant 0 : i32
          %dma_wait3A_145 = arith.constant 0 : i32
          %dma_wait3A_146 = tpu.memref_slice %arg8[%rem3A_96, %dma_wait3A_144, %dma_wait3A_145] : memref<12x128x32xf32, #tpu.memory_space<vmem>> -> memref<1x128x32xf32, #tpu.memory_space<vmem>>
          %dma_wait3A_147 = tpu.memref_squeeze %dma_wait3A_146 : memref<1x128x32xf32, #tpu.memory_space<vmem>> -> memref<128x32xf32, #tpu.memory_space<vmem>>
          %dma_wait3A_148 = arith.constant 0 : i32
          %dma_wait3A_149 = tpu.memref_slice %arg7[%scan3A_93, %dma_wait3A_148] : memref<79x128xi32, #tpu.memory_space<vmem>> -> memref<1x128xi32, #tpu.memory_space<vmem>>
          %dma_wait3A_150 = tpu.memref_squeeze %dma_wait3A_149 : memref<1x128xi32, #tpu.memory_space<vmem>> -> memref<128xi32, #tpu.memory_space<vmem>>
          %dma_wait3A_151 = arith.constant 0 : i32
          %dma_wait3A_152 = arith.constant 0 : i32
          %dma_wait3A_153 = tpu.memref_slice %arg9[%dma_wait3A_151, %dma_wait3A_152] : memref<10240x32xf32, #tpu.memory_space<vmem_shared>> -> memref<10240x32xf32, #tpu.memory_space<vmem_shared>>
          %dma_wait3A_154 = tpu.memref_slice %arg12[%rem3A_96] : memref<12x!tpu.dma_semaphore, #tpu.memory_space<semaphore_mem>> -> memref<1x!tpu.dma_semaphore, #tpu.memory_space<semaphore_mem>>
          %dma_wait3A_155 = tpu.memref_squeeze %dma_wait3A_154 : memref<1x!tpu.dma_semaphore, #tpu.memory_space<semaphore_mem>> -> memref<!tpu.dma_semaphore, #tpu.memory_space<semaphore_mem>>
          tpu.wait_indirect_dma semaphore(%dma_wait3A_155 : memref<!tpu.dma_semaphore, #tpu.memory_space<semaphore_mem>>) src(%dma_wait3A_147 : memref<128x32xf32, #tpu.memory_space<vmem>>) dst(%dma_wait3A_153 : memref<10240x32xf32, #tpu.memory_space<vmem_shared>>)
        } else {
        }
        %add3A_130 = arith.constant 4 : i32
        %add3A_131 = arith.addi %scan3A_93, %add3A_130 : i32
        %dma_start3A_132 = arith.constant 0 : i32
        %dma_start3A_133 = arith.constant 0 : i32
        %dma_start3A_134 = tpu.memref_slice %arg8[%rem3A_96, %dma_start3A_132, %dma_start3A_133] : memref<12x128x32xf32, #tpu.memory_space<vmem>> -> memref<1x128x32xf32, #tpu.memory_space<vmem>>
        %dma_start3A_135 = tpu.memref_squeeze %dma_start3A_134 : memref<1x128x32xf32, #tpu.memory_space<vmem>> -> memref<128x32xf32, #tpu.memory_space<vmem>>
        %dma_start3A_136 = arith.constant 0 : i32
        %dma_start3A_137 = tpu.memref_slice %arg6[%add3A_131, %dma_start3A_136] : memref<79x128xi32, #tpu.memory_space<vmem>> -> memref<1x128xi32, #tpu.memory_space<vmem>>
        %dma_start3A_138 = tpu.memref_squeeze %dma_start3A_137 : memref<1x128xi32, #tpu.memory_space<vmem>> -> memref<128xi32, #tpu.memory_space<vmem>>
        %dma_start3A_139 = arith.constant 0 : i32
        %dma_start3A_140 = arith.constant 0 : i32
        %dma_start3A_141 = tpu.memref_slice %arg10[%dma_start3A_139, %dma_start3A_140] : memref<10000x32xf32, #tpu.memory_space<vmem_shared>> -> memref<10000x32xf32, #tpu.memory_space<vmem_shared>>
        %dma_start3A_142 = tpu.memref_slice %arg11[%rem3A_96] : memref<12x!tpu.dma_semaphore, #tpu.memory_space<semaphore_mem>> -> memref<1x!tpu.dma_semaphore, #tpu.memory_space<semaphore_mem>>
        %dma_start3A_143 = tpu.memref_squeeze %dma_start3A_142 : memref<1x!tpu.dma_semaphore, #tpu.memory_space<semaphore_mem>> -> memref<!tpu.dma_semaphore, #tpu.memory_space<semaphore_mem>>
        tpu.enqueue_indirect_dma source(%dma_start3A_141 : memref<10000x32xf32, #tpu.memory_space<vmem_shared>>) target(%dma_start3A_135 : memref<128x32xf32, #tpu.memory_space<vmem>>) offsets(%dma_start3A_138 : memref<128xi32, #tpu.memory_space<vmem>>) semaphore(%dma_start3A_143 : memref<!tpu.dma_semaphore, #tpu.memory_space<semaphore_mem>>)
      } else {
      }
      %rem3A_101 = arith.constant 12 : i32
      %rem3A_102 = arith.remsi %scan3A_93, %rem3A_101 : i32
      %dma_wait3A = arith.constant 0 : i32
      %dma_wait3A_103 = arith.constant 0 : i32
      %dma_wait3A_104 = tpu.memref_slice %arg8[%rem3A_102, %dma_wait3A, %dma_wait3A_103] : memref<12x128x32xf32, #tpu.memory_space<vmem>> -> memref<1x128x32xf32, #tpu.memory_space<vmem>>
      %dma_wait3A_105 = tpu.memref_squeeze %dma_wait3A_104 : memref<1x128x32xf32, #tpu.memory_space<vmem>> -> memref<128x32xf32, #tpu.memory_space<vmem>>
      %dma_wait3A_106 = arith.constant 0 : i32
      %dma_wait3A_107 = tpu.memref_slice %arg6[%scan3A_93, %dma_wait3A_106] : memref<79x128xi32, #tpu.memory_space<vmem>> -> memref<1x128xi32, #tpu.memory_space<vmem>>
      %dma_wait3A_108 = tpu.memref_squeeze %dma_wait3A_107 : memref<1x128xi32, #tpu.memory_space<vmem>> -> memref<128xi32, #tpu.memory_space<vmem>>
      %dma_wait3A_109 = arith.constant 0 : i32
      %dma_wait3A_110 = arith.constant 0 : i32
      %dma_wait3A_111 = tpu.memref_slice %arg10[%dma_wait3A_109, %dma_wait3A_110] : memref<10000x32xf32, #tpu.memory_space<vmem_shared>> -> memref<10000x32xf32, #tpu.memory_space<vmem_shared>>
      %dma_wait3A_112 = tpu.memref_slice %arg11[%rem3A_102] : memref<12x!tpu.dma_semaphore, #tpu.memory_space<semaphore_mem>> -> memref<1x!tpu.dma_semaphore, #tpu.memory_space<semaphore_mem>>
      %dma_wait3A_113 = tpu.memref_squeeze %dma_wait3A_112 : memref<1x!tpu.dma_semaphore, #tpu.memory_space<semaphore_mem>> -> memref<!tpu.dma_semaphore, #tpu.memory_space<semaphore_mem>>
      tpu.wait_indirect_dma semaphore(%dma_wait3A_113 : memref<!tpu.dma_semaphore, #tpu.memory_space<semaphore_mem>>) src(%dma_wait3A_111 : memref<10000x32xf32, #tpu.memory_space<vmem_shared>>) dst(%dma_wait3A_105 : memref<128x32xf32, #tpu.memory_space<vmem>>)
      %dma_start3A_114 = arith.constant 0 : i32
      %dma_start3A_115 = arith.constant 0 : i32
      %dma_start3A_116 = tpu.memref_slice %arg8[%rem3A_102, %dma_start3A_114, %dma_start3A_115] : memref<12x128x32xf32, #tpu.memory_space<vmem>> -> memref<1x128x32xf32, #tpu.memory_space<vmem>>
      %dma_start3A_117 = tpu.memref_squeeze %dma_start3A_116 : memref<1x128x32xf32, #tpu.memory_space<vmem>> -> memref<128x32xf32, #tpu.memory_space<vmem>>
      %dma_start3A_118 = arith.constant 0 : i32
      %dma_start3A_119 = tpu.memref_slice %arg7[%scan3A_93, %dma_start3A_118] : memref<79x128xi32, #tpu.memory_space<vmem>> -> memref<1x128xi32, #tpu.memory_space<vmem>>
      %dma_start3A_120 = tpu.memref_squeeze %dma_start3A_119 : memref<1x128xi32, #tpu.memory_space<vmem>> -> memref<128xi32, #tpu.memory_space<vmem>>
      %dma_start3A_121 = arith.constant 0 : i32
      %dma_start3A_122 = arith.constant 0 : i32
      %dma_start3A_123 = tpu.memref_slice %arg9[%dma_start3A_121, %dma_start3A_122] : memref<10240x32xf32, #tpu.memory_space<vmem_shared>> -> memref<10240x32xf32, #tpu.memory_space<vmem_shared>>
      %dma_start3A_124 = tpu.memref_slice %arg12[%rem3A_102] : memref<12x!tpu.dma_semaphore, #tpu.memory_space<semaphore_mem>> -> memref<1x!tpu.dma_semaphore, #tpu.memory_space<semaphore_mem>>
      %dma_start3A_125 = tpu.memref_squeeze %dma_start3A_124 : memref<1x!tpu.dma_semaphore, #tpu.memory_space<semaphore_mem>> -> memref<!tpu.dma_semaphore, #tpu.memory_space<semaphore_mem>>
      tpu.enqueue_indirect_dma source(%dma_start3A_117 : memref<128x32xf32, #tpu.memory_space<vmem>>) target(%dma_start3A_123 : memref<10240x32xf32, #tpu.memory_space<vmem_shared>>) offsets(%dma_start3A_120 : memref<128xi32, #tpu.memory_space<vmem>>) semaphore(%dma_start3A_125 : memref<!tpu.dma_semaphore, #tpu.memory_space<semaphore_mem>>) {add = true}
    }
    %scan3A_81 = arith.constant 79 : i32
    %scan3A_82 = arith.constant 0 : i32
    %scan3A_83 = arith.constant 67 : i32
    %scan3A_84 = arith.constant 12 : i32
    %scan3A_85 = arith.addi %scan3A_83, %scan3A_84 : i32
    %scan3A_86 = arith.constant 1 : i32
    scf.for %scan3A_93 = %scan3A_83 to %scan3A_85 step %scan3A_86  : i32 {
      %rem3A = arith.constant 12 : i32
      %rem3A_94 = arith.remsi %scan3A_93, %rem3A : i32
      %rem3A_95 = arith.constant 12 : i32
      %rem3A_96 = arith.remsi %scan3A_93, %rem3A_95 : i32
      %dma_wait3A = arith.constant 0 : i32
      %dma_wait3A_97 = arith.constant 0 : i32
      %dma_wait3A_98 = tpu.memref_slice %arg8[%rem3A_94, %dma_wait3A, %dma_wait3A_97] : memref<12x128x32xf32, #tpu.memory_space<vmem>> -> memref<1x128x32xf32, #tpu.memory_space<vmem>>
      %dma_wait3A_99 = tpu.memref_squeeze %dma_wait3A_98 : memref<1x128x32xf32, #tpu.memory_space<vmem>> -> memref<128x32xf32, #tpu.memory_space<vmem>>
      %dma_wait3A_100 = arith.constant 0 : i32
      %dma_wait3A_101 = tpu.memref_slice %arg7[%scan3A_93, %dma_wait3A_100] : memref<79x128xi32, #tpu.memory_space<vmem>> -> memref<1x128xi32, #tpu.memory_space<vmem>>
      %dma_wait3A_102 = tpu.memref_squeeze %dma_wait3A_101 : memref<1x128xi32, #tpu.memory_space<vmem>> -> memref<128xi32, #tpu.memory_space<vmem>>
      %dma_wait3A_103 = arith.constant 0 : i32
      %dma_wait3A_104 = arith.constant 0 : i32
      %dma_wait3A_105 = tpu.memref_slice %arg9[%dma_wait3A_103, %dma_wait3A_104] : memref<10240x32xf32, #tpu.memory_space<vmem_shared>> -> memref<10240x32xf32, #tpu.memory_space<vmem_shared>>
      %dma_wait3A_106 = tpu.memref_slice %arg12[%rem3A_96] : memref<12x!tpu.dma_semaphore, #tpu.memory_space<semaphore_mem>> -> memref<1x!tpu.dma_semaphore, #tpu.memory_space<semaphore_mem>>
      %dma_wait3A_107 = tpu.memref_squeeze %dma_wait3A_106 : memref<1x!tpu.dma_semaphore, #tpu.memory_space<semaphore_mem>> -> memref<!tpu.dma_semaphore, #tpu.memory_space<semaphore_mem>>
      tpu.wait_indirect_dma semaphore(%dma_wait3A_107 : memref<!tpu.dma_semaphore, #tpu.memory_space<semaphore_mem>>) src(%dma_wait3A_99 : memref<128x32xf32, #tpu.memory_space<vmem>>) dst(%dma_wait3A_105 : memref<10240x32xf32, #tpu.memory_space<vmem_shared>>)
    }
    %scan3A_87 = arith.constant 12 : i32
    %barrier3A_88 = arith.constant 0 : index
    tpu.barrier barrier_id(%barrier3A_88)
    %mul3A_89 = arith.constant 640 : i32
    %mul3A_90 = arith.muli %arg1, %mul3A_89 : i32
    %mul3A_91 = arith.constant 640 : i32
    %mul3A_92 = arith.muli %arg1, %mul3A_91 : i32
    "tpu.region"() ({
      %run_scoped3A = tpu.sem_alloc : memref<!tpu.dma_semaphore, #tpu.memory_space<semaphore_mem>>
      %dma_start3A_93 = arith.constant 0 : i32
      %dma_start3A_94 = tpu.memref_slice %arg5[%arg0, %mul3A_92, %dma_start3A_93] : memref<2x10240x32xf32, #tpu.memory_space<hbm>> -> memref<1x640x32xf32, #tpu.memory_space<hbm>>
      %dma_start3A_95 = tpu.memref_squeeze %dma_start3A_94 : memref<1x640x32xf32, #tpu.memory_space<hbm>> -> memref<640x32xf32, #tpu.memory_space<hbm>>
      %dma_start3A_96 = arith.constant 0 : i32
      %dma_start3A_97 = tpu.memref_slice %arg9[%mul3A_90, %dma_start3A_96] : memref<10240x32xf32, #tpu.memory_space<vmem_shared>> -> memref<640x32xf32, #tpu.memory_space<vmem_shared>>
      tpu.enqueue_dma source(%dma_start3A_97 : memref<640x32xf32, #tpu.memory_space<vmem_shared>>) target(%dma_start3A_95 : memref<640x32xf32, #tpu.memory_space<hbm>>) target_semaphore(%run_scoped3A : memref<!tpu.dma_semaphore, #tpu.memory_space<semaphore_mem>>)
      %dma_wait3A = arith.constant 0 : i32
      %dma_wait3A_98 = tpu.memref_slice %arg5[%arg0, %mul3A_92, %dma_wait3A] : memref<2x10240x32xf32, #tpu.memory_space<hbm>> -> memref<1x640x32xf32, #tpu.memory_space<hbm>>
      %dma_wait3A_99 = tpu.memref_squeeze %dma_wait3A_98 : memref<1x640x32xf32, #tpu.memory_space<hbm>> -> memref<640x32xf32, #tpu.memory_space<hbm>>
      %dma_wait3A_100 = arith.constant 0 : i32
      %dma_wait3A_101 = tpu.memref_slice %arg9[%mul3A_90, %dma_wait3A_100] : memref<10240x32xf32, #tpu.memory_space<vmem_shared>> -> memref<640x32xf32, #tpu.memory_space<vmem_shared>>
      tpu.wait_dma2 semaphore(%run_scoped3A : memref<!tpu.dma_semaphore, #tpu.memory_space<semaphore_mem>>) src(%dma_wait3A_101 : memref<640x32xf32, #tpu.memory_space<vmem_shared>>) dst(%dma_wait3A_99 : memref<640x32xf32, #tpu.memory_space<hbm>>)
      tpu.yield
    }) : () -> ()
    return
  }
}

#map = affine_map<(d0, d1) -> (0, 0, 0)>
module attributes {stable_mosaic.version = 14 : i64} {
  func.func @k(%arg0: i32, %arg1: i32, %arg2: memref<2x10000x32xf32, #tpu.memory_space<hbm>>, %arg3: memref<16x158x128xi32, #tpu.memory_space<hbm>>, %arg4: memref<16x158x128xi32, #tpu.memory_space<hbm>>, %arg5: memref<2x10240x32xf32, #tpu.memory_space<hbm>>, %arg6: memref<158x128xi32, #tpu.memory_space<vmem>>, %arg7: memref<158x128xi32, #tpu.memory_space<vmem>>, %arg8: memref<12x128x32xf32, #tpu.memory_space<vmem>>, %arg9: memref<10240x32xf32, #tpu.memory_space<vmem_shared>>, %arg10: memref<10000x32xf32, #tpu.memory_space<vmem_shared>>, %arg11: memref<12x!tpu.dma_semaphore, #tpu.memory_space<semaphore_mem>>, %arg12: memref<12x!tpu.dma_semaphore, #tpu.memory_space<semaphore_mem>>) attributes {dimension_semantics = [#tpu.dimension_semantics<core_parallel>, #tpu.dimension_semantics<subcore_parallel>], iteration_bounds = array<i64: 2, 16>, scalar_prefetch = 0 : i64, scratch_operands = 7 : i64, tpu.core_type = #tpu.core_type<sc_vector_subcore>, window_params = [{transform_indices = #map}, {transform_indices = #map}, {transform_indices = #map}, {transform_indices = #map}]} {
    "tpu.region"() ({
      %run_scoped3A = tpu.sem_alloc : memref<!tpu.dma_semaphore, #tpu.memory_space<semaphore_mem>>
      %dma_start3A_91 = arith.constant 0 : i32
      %dma_start3A_92 = arith.constant 0 : i32
      %dma_start3A_93 = tpu.memref_slice %arg3[%arg1, %dma_start3A_91, %dma_start3A_92] : memref<16x158x128xi32, #tpu.memory_space<hbm>> -> memref<1x158x128xi32, #tpu.memory_space<hbm>>
      %dma_start3A_94 = tpu.memref_squeeze %dma_start3A_93 : memref<1x158x128xi32, #tpu.memory_space<hbm>> -> memref<158x128xi32, #tpu.memory_space<hbm>>
      %dma_start3A_95 = arith.constant 0 : i32
      %dma_start3A_96 = arith.constant 0 : i32
      %dma_start3A_97 = tpu.memref_slice %arg3[%arg1, %dma_start3A_95, %dma_start3A_96] : memref<16x158x128xi32, #tpu.memory_space<hbm>> -> memref<1x158x128xi32, #tpu.memory_space<hbm>>
      %dma_start3A_98 = tpu.memref_squeeze %dma_start3A_97 : memref<1x158x128xi32, #tpu.memory_space<hbm>> -> memref<158x128xi32, #tpu.memory_space<hbm>>
      tpu.enqueue_dma source(%dma_start3A_98 : memref<158x128xi32, #tpu.memory_space<hbm>>) target(%arg6 : memref<158x128xi32, #tpu.memory_space<vmem>>) target_semaphore(%run_scoped3A : memref<!tpu.dma_semaphore, #tpu.memory_space<semaphore_mem>>)
      %dma_wait3A = arith.constant 0 : i32
      %dma_wait3A_99 = arith.constant 0 : i32
      %dma_wait3A_100 = tpu.memref_slice %arg3[%arg1, %dma_wait3A, %dma_wait3A_99] : memref<16x158x128xi32, #tpu.memory_space<hbm>> -> memref<1x158x128xi32, #tpu.memory_space<hbm>>
      %dma_wait3A_101 = tpu.memref_squeeze %dma_wait3A_100 : memref<1x158x128xi32, #tpu.memory_space<hbm>> -> memref<158x128xi32, #tpu.memory_space<hbm>>
      %dma_wait3A_102 = arith.constant 0 : i32
      %dma_wait3A_103 = arith.constant 0 : i32
      %dma_wait3A_104 = tpu.memref_slice %arg3[%arg1, %dma_wait3A_102, %dma_wait3A_103] : memref<16x158x128xi32, #tpu.memory_space<hbm>> -> memref<1x158x128xi32, #tpu.memory_space<hbm>>
      %dma_wait3A_105 = tpu.memref_squeeze %dma_wait3A_104 : memref<1x158x128xi32, #tpu.memory_space<hbm>> -> memref<158x128xi32, #tpu.memory_space<hbm>>
      tpu.wait_dma2 semaphore(%run_scoped3A : memref<!tpu.dma_semaphore, #tpu.memory_space<semaphore_mem>>) src(%dma_wait3A_105 : memref<158x128xi32, #tpu.memory_space<hbm>>) dst(%arg6 : memref<158x128xi32, #tpu.memory_space<vmem>>)
      tpu.yield
    }) : () -> ()
    "tpu.region"() ({
      %run_scoped3A = tpu.sem_alloc : memref<!tpu.dma_semaphore, #tpu.memory_space<semaphore_mem>>
      %dma_start3A_91 = arith.constant 0 : i32
      %dma_start3A_92 = arith.constant 0 : i32
      %dma_start3A_93 = tpu.memref_slice %arg4[%arg1, %dma_start3A_91, %dma_start3A_92] : memref<16x158x128xi32, #tpu.memory_space<hbm>> -> memref<1x158x128xi32, #tpu.memory_space<hbm>>
      %dma_start3A_94 = tpu.memref_squeeze %dma_start3A_93 : memref<1x158x128xi32, #tpu.memory_space<hbm>> -> memref<158x128xi32, #tpu.memory_space<hbm>>
      %dma_start3A_95 = arith.constant 0 : i32
      %dma_start3A_96 = arith.constant 0 : i32
      %dma_start3A_97 = tpu.memref_slice %arg4[%arg1, %dma_start3A_95, %dma_start3A_96] : memref<16x158x128xi32, #tpu.memory_space<hbm>> -> memref<1x158x128xi32, #tpu.memory_space<hbm>>
      %dma_start3A_98 = tpu.memref_squeeze %dma_start3A_97 : memref<1x158x128xi32, #tpu.memory_space<hbm>> -> memref<158x128xi32, #tpu.memory_space<hbm>>
      tpu.enqueue_dma source(%dma_start3A_98 : memref<158x128xi32, #tpu.memory_space<hbm>>) target(%arg7 : memref<158x128xi32, #tpu.memory_space<vmem>>) target_semaphore(%run_scoped3A : memref<!tpu.dma_semaphore, #tpu.memory_space<semaphore_mem>>)
      %dma_wait3A = arith.constant 0 : i32
      %dma_wait3A_99 = arith.constant 0 : i32
      %dma_wait3A_100 = tpu.memref_slice %arg4[%arg1, %dma_wait3A, %dma_wait3A_99] : memref<16x158x128xi32, #tpu.memory_space<hbm>> -> memref<1x158x128xi32, #tpu.memory_space<hbm>>
      %dma_wait3A_101 = tpu.memref_squeeze %dma_wait3A_100 : memref<1x158x128xi32, #tpu.memory_space<hbm>> -> memref<158x128xi32, #tpu.memory_space<hbm>>
      %dma_wait3A_102 = arith.constant 0 : i32
      %dma_wait3A_103 = arith.constant 0 : i32
      %dma_wait3A_104 = tpu.memref_slice %arg4[%arg1, %dma_wait3A_102, %dma_wait3A_103] : memref<16x158x128xi32, #tpu.memory_space<hbm>> -> memref<1x158x128xi32, #tpu.memory_space<hbm>>
      %dma_wait3A_105 = tpu.memref_squeeze %dma_wait3A_104 : memref<1x158x128xi32, #tpu.memory_space<hbm>> -> memref<158x128xi32, #tpu.memory_space<hbm>>
      tpu.wait_dma2 semaphore(%run_scoped3A : memref<!tpu.dma_semaphore, #tpu.memory_space<semaphore_mem>>) src(%dma_wait3A_105 : memref<158x128xi32, #tpu.memory_space<hbm>>) dst(%arg7 : memref<158x128xi32, #tpu.memory_space<vmem>>)
      tpu.yield
    }) : () -> ()
    %mul3A = arith.constant 625 : i32
    %mul3A_0 = arith.muli %arg1, %mul3A : i32
    %mul3A_1 = arith.constant 625 : i32
    %mul3A_2 = arith.muli %arg1, %mul3A_1 : i32
    "tpu.region"() ({
      %run_scoped3A = tpu.sem_alloc : memref<!tpu.dma_semaphore, #tpu.memory_space<semaphore_mem>>
      %dma_start3A_91 = arith.constant 0 : i32
      %dma_start3A_92 = tpu.memref_slice %arg10[%mul3A_2, %dma_start3A_91] : memref<10000x32xf32, #tpu.memory_space<vmem_shared>> -> memref<625x32xf32, #tpu.memory_space<vmem_shared>>
      %dma_start3A_93 = arith.constant 0 : i32
      %dma_start3A_94 = arith.constant 0 : i32
      %dma_start3A_95 = tpu.memref_slice %arg2[%arg0, %dma_start3A_93, %dma_start3A_94] : memref<2x10000x32xf32, #tpu.memory_space<hbm>> -> memref<1x10000x32xf32, #tpu.memory_space<hbm>>
      %dma_start3A_96 = tpu.memref_squeeze %dma_start3A_95 : memref<1x10000x32xf32, #tpu.memory_space<hbm>> -> memref<10000x32xf32, #tpu.memory_space<hbm>>
      %dma_start3A_97 = arith.constant 0 : i32
      %dma_start3A_98 = tpu.memref_slice %dma_start3A_96[%mul3A_0, %dma_start3A_97] : memref<10000x32xf32, #tpu.memory_space<hbm>> -> memref<625x32xf32, #tpu.memory_space<hbm>>
      tpu.enqueue_dma source(%dma_start3A_98 : memref<625x32xf32, #tpu.memory_space<hbm>>) target(%dma_start3A_92 : memref<625x32xf32, #tpu.memory_space<vmem_shared>>) target_semaphore(%run_scoped3A : memref<!tpu.dma_semaphore, #tpu.memory_space<semaphore_mem>>)
      %dma_wait3A = arith.constant 0 : i32
      %dma_wait3A_99 = tpu.memref_slice %arg10[%mul3A_2, %dma_wait3A] : memref<10000x32xf32, #tpu.memory_space<vmem_shared>> -> memref<625x32xf32, #tpu.memory_space<vmem_shared>>
      %dma_wait3A_100 = arith.constant 0 : i32
      %dma_wait3A_101 = arith.constant 0 : i32
      %dma_wait3A_102 = tpu.memref_slice %arg2[%arg0, %dma_wait3A_100, %dma_wait3A_101] : memref<2x10000x32xf32, #tpu.memory_space<hbm>> -> memref<1x10000x32xf32, #tpu.memory_space<hbm>>
      %dma_wait3A_103 = tpu.memref_squeeze %dma_wait3A_102 : memref<1x10000x32xf32, #tpu.memory_space<hbm>> -> memref<10000x32xf32, #tpu.memory_space<hbm>>
      %dma_wait3A_104 = arith.constant 0 : i32
      %dma_wait3A_105 = tpu.memref_slice %dma_wait3A_103[%mul3A_0, %dma_wait3A_104] : memref<10000x32xf32, #tpu.memory_space<hbm>> -> memref<625x32xf32, #tpu.memory_space<hbm>>
      tpu.wait_dma2 semaphore(%run_scoped3A : memref<!tpu.dma_semaphore, #tpu.memory_space<semaphore_mem>>) src(%dma_wait3A_105 : memref<625x32xf32, #tpu.memory_space<hbm>>) dst(%dma_wait3A_99 : memref<625x32xf32, #tpu.memory_space<vmem_shared>>)
      tpu.yield
    }) : () -> ()
    %broadcast_in_dim3A = arith.constant 0.000000e+00 : f32
    %broadcast_in_dim3A_3 = vector.broadcast %broadcast_in_dim3A : f32 to vector<16xf32>
    %scan3A = arith.constant 0 : i32
    %scan3A_4 = arith.constant 0 : i32
    %scan3A_5 = arith.constant 256 : i32
    %scan3A_6 = arith.addi %scan3A_4, %scan3A_5 : i32
    %scan3A_7 = arith.constant 1 : i32
    scf.for %scan3A_91 = %scan3A_4 to %scan3A_6 step %scan3A_7  : i32 {
      %jit3A = arith.constant 2 : i32
      %div3A = arith.divsi %scan3A_91, %jit3A : i32
      %sign3A = arith.constant 0 : i32
      %sign3A_92 = arith.cmpi sgt, %scan3A_91, %sign3A : i32
      %sign3A_93 = arith.extui %sign3A_92 : i1 to i32
      %sign3A_94 = arith.constant 0 : i32
      %sign3A_95 = arith.cmpi slt, %scan3A_91, %sign3A_94 : i32
      %sign3A_96 = arith.extui %sign3A_95 : i1 to i32
      %sign3A_97 = arith.subi %sign3A_93, %sign3A_96 : i32
      %sign3A_98 = arith.constant 0 : i32
      %sign3A_99 = arith.cmpi sgt, %jit3A, %sign3A_98 : i32
      %sign3A_100 = arith.extui %sign3A_99 : i1 to i32
      %sign3A_101 = arith.constant 0 : i32
      %sign3A_102 = arith.cmpi slt, %jit3A, %sign3A_101 : i32
      %sign3A_103 = arith.extui %sign3A_102 : i1 to i32
      %sign3A_104 = arith.subi %sign3A_100, %sign3A_103 : i32
      %ne3A = arith.cmpi ne, %sign3A_97, %sign3A_104 : i32
      %rem3A = arith.remsi %scan3A_91, %jit3A : i32
      %ne3A_105 = arith.constant 0 : i32
      %ne3A_106 = arith.cmpi ne, %rem3A, %ne3A_105 : i32
      %and3A = arith.andi %ne3A, %ne3A_106 : i1
      %sub3A = arith.constant 1 : i32
      %sub3A_107 = arith.subi %div3A, %sub3A : i32
      %select_n3A = arith.select %and3A, %sub3A_107, %div3A : i32
      %jit3A_108 = arith.constant 2 : i32
      %eq3A = arith.constant 0 : i32
      %eq3A_109 = arith.cmpi eq, %jit3A_108, %eq3A : i32
      %jit3A_110 = arith.constant 1 : i32
      %select_n3A_111 = arith.select %eq3A_109, %jit3A_110, %jit3A_108 : i32
      %rem3A_112 = arith.remsi %scan3A_91, %select_n3A_111 : i32
      %ne3A_113 = arith.constant 0 : i32
      %ne3A_114 = arith.cmpi ne, %rem3A_112, %ne3A_113 : i32
      %lt3A = arith.constant 0 : i32
      %lt3A_115 = arith.cmpi slt, %rem3A_112, %lt3A : i32
      %lt3A_116 = arith.constant 0 : i32
      %lt3A_117 = arith.cmpi slt, %select_n3A_111, %lt3A_116 : i32
      %ne3A_118 = arith.xori %lt3A_115, %lt3A_117 : i1
      %and3A_119 = arith.andi %ne3A_118, %ne3A_114 : i1
      %add3A = arith.addi %rem3A_112, %select_n3A_111 : i32
      %select_n3A_120 = arith.select %and3A_119, %add3A, %rem3A_112 : i32
      %mul3A_121 = arith.constant 16 : i32
      %mul3A_122 = arith.muli %select_n3A_120, %mul3A_121 : i32
      %swap3A = arith.constant 0 : i32
      %swap3A_123 = arith.index_cast %swap3A : i32 to index
      %swap3A_124 = arith.index_cast %select_n3A : i32 to index
      %swap3A_125 = arith.index_cast %mul3A_122 : i32 to index
      %swap3A_126 = tpu.vector_load %arg8[%swap3A_123, %swap3A_124, %swap3A_125] {strides = array<i32>} : memref<12x128x32xf32, #tpu.memory_space<vmem>>, vector<1x1x16xf32>,
      %swap3A_127 = vector.shape_cast %swap3A_126 : vector<1x1x16xf32> to vector<16xf32>
      %swap3A_128 = vector.shape_cast %broadcast_in_dim3A_3 : vector<16xf32> to vector<1x1x16xf32>
      tpu.vector_store %arg8[%swap3A_123, %swap3A_124, %swap3A_125], %swap3A_128 {strides = array<i32>} : memref<12x128x32xf32, #tpu.memory_space<vmem>>, vector<1x1x16xf32>,
    }
    %scan3A_8 = arith.constant 256 : i32
    %scan3A_9 = arith.constant 0 : i32
    %scan3A_10 = arith.constant 0 : i32
    %scan3A_11 = arith.constant 5 : i32
    %scan3A_12 = arith.addi %scan3A_10, %scan3A_11 : i32
    %scan3A_13 = arith.constant 1 : i32
    scf.for %scan3A_91 = %scan3A_10 to %scan3A_12 step %scan3A_13  : i32 {
      %mul3A_92 = arith.constant 640 : i32
      %mul3A_93 = arith.muli %arg1, %mul3A_92 : i32
      %mul3A_94 = arith.constant 128 : i32
      %mul3A_95 = arith.muli %scan3A_91, %mul3A_94 : i32
      %add3A = arith.addi %mul3A_93, %mul3A_95 : i32
      %run_scoped3A = arith.constant 0 : i32
      "tpu.region"() ({
        %run_scoped3A_96 = tpu.sem_alloc : memref<!tpu.dma_semaphore, #tpu.memory_space<semaphore_mem>>
        %dma_start3A_97 = arith.constant 0 : i32
        %dma_start3A_98 = arith.constant 0 : i32
        %dma_start3A_99 = tpu.memref_slice %arg8[%run_scoped3A, %dma_start3A_97, %dma_start3A_98] : memref<12x128x32xf32, #tpu.memory_space<vmem>> -> memref<1x128x32xf32, #tpu.memory_space<vmem>>
        %dma_start3A_100 = tpu.memref_squeeze %dma_start3A_99 : memref<1x128x32xf32, #tpu.memory_space<vmem>> -> memref<128x32xf32, #tpu.memory_space<vmem>>
        %dma_start3A_101 = arith.constant 0 : i32
        %dma_start3A_102 = tpu.memref_slice %arg9[%add3A, %dma_start3A_101] : memref<10240x32xf32, #tpu.memory_space<vmem_shared>> -> memref<128x32xf32, #tpu.memory_space<vmem_shared>>
        %dma_start3A_103 = arith.constant 0 : i32
        %dma_start3A_104 = tpu.memref_slice %arg9[%add3A, %dma_start3A_103] : memref<10240x32xf32, #tpu.memory_space<vmem_shared>> -> memref<128x32xf32, #tpu.memory_space<vmem_shared>>
        %dma_start3A_105 = arith.constant 0 : i32
        %dma_start3A_106 = arith.constant 0 : i32
        %dma_start3A_107 = tpu.memref_slice %arg8[%run_scoped3A, %dma_start3A_105, %dma_start3A_106] : memref<12x128x32xf32, #tpu.memory_space<vmem>> -> memref<1x128x32xf32, #tpu.memory_space<vmem>>
        %dma_start3A_108 = tpu.memref_squeeze %dma_start3A_107 : memref<1x128x32xf32, #tpu.memory_space<vmem>> -> memref<128x32xf32, #tpu.memory_space<vmem>>
        tpu.enqueue_dma source(%dma_start3A_108 : memref<128x32xf32, #tpu.memory_space<vmem>>) target(%dma_start3A_104 : memref<128x32xf32, #tpu.memory_space<vmem_shared>>) target_semaphore(%run_scoped3A_96 : memref<!tpu.dma_semaphore, #tpu.memory_space<semaphore_mem>>)
        %dma_wait3A = arith.constant 0 : i32
        %dma_wait3A_109 = arith.constant 0 : i32
        %dma_wait3A_110 = tpu.memref_slice %arg8[%run_scoped3A, %dma_wait3A, %dma_wait3A_109] : memref<12x128x32xf32, #tpu.memory_space<vmem>> -> memref<1x128x32xf32, #tpu.memory_space<vmem>>
        %dma_wait3A_111 = tpu.memref_squeeze %dma_wait3A_110 : memref<1x128x32xf32, #tpu.memory_space<vmem>> -> memref<128x32xf32, #tpu.memory_space<vmem>>
        %dma_wait3A_112 = arith.constant 0 : i32
        %dma_wait3A_113 = tpu.memref_slice %arg9[%add3A, %dma_wait3A_112] : memref<10240x32xf32, #tpu.memory_space<vmem_shared>> -> memref<128x32xf32, #tpu.memory_space<vmem_shared>>
        %dma_wait3A_114 = arith.constant 0 : i32
        %dma_wait3A_115 = tpu.memref_slice %arg9[%add3A, %dma_wait3A_114] : memref<10240x32xf32, #tpu.memory_space<vmem_shared>> -> memref<128x32xf32, #tpu.memory_space<vmem_shared>>
        %dma_wait3A_116 = arith.constant 0 : i32
        %dma_wait3A_117 = arith.constant 0 : i32
        %dma_wait3A_118 = tpu.memref_slice %arg8[%run_scoped3A, %dma_wait3A_116, %dma_wait3A_117] : memref<12x128x32xf32, #tpu.memory_space<vmem>> -> memref<1x128x32xf32, #tpu.memory_space<vmem>>
        %dma_wait3A_119 = tpu.memref_squeeze %dma_wait3A_118 : memref<1x128x32xf32, #tpu.memory_space<vmem>> -> memref<128x32xf32, #tpu.memory_space<vmem>>
        tpu.wait_dma2 semaphore(%run_scoped3A_96 : memref<!tpu.dma_semaphore, #tpu.memory_space<semaphore_mem>>) src(%dma_wait3A_119 : memref<128x32xf32, #tpu.memory_space<vmem>>) dst(%dma_wait3A_115 : memref<128x32xf32, #tpu.memory_space<vmem_shared>>)
        tpu.yield
      }) : () -> ()
    }
    %scan3A_14 = arith.constant 5 : i32
    %barrier3A = arith.constant 0 : index
    tpu.barrier barrier_id(%barrier3A)
    %dma_start3A = arith.constant 0 : i32
    %dma_start3A_15 = arith.constant 0 : i32
    %dma_start3A_16 = arith.constant 0 : i32
    %dma_start3A_17 = arith.constant 0 : i32
    %dma_start3A_18 = arith.constant 0 : i32
    %dma_start3A_19 = tpu.memref_slice %arg8[%dma_start3A_15, %dma_start3A_17, %dma_start3A_18] : memref<12x128x32xf32, #tpu.memory_space<vmem>> -> memref<1x128x32xf32, #tpu.memory_space<vmem>>
    %dma_start3A_20 = tpu.memref_squeeze %dma_start3A_19 : memref<1x128x32xf32, #tpu.memory_space<vmem>> -> memref<128x32xf32, #tpu.memory_space<vmem>>
    %dma_start3A_21 = arith.constant 0 : i32
    %dma_start3A_22 = tpu.memref_slice %arg6[%dma_start3A, %dma_start3A_21] : memref<158x128xi32, #tpu.memory_space<vmem>> -> memref<1x128xi32, #tpu.memory_space<vmem>>
    %dma_start3A_23 = tpu.memref_squeeze %dma_start3A_22 : memref<1x128xi32, #tpu.memory_space<vmem>> -> memref<128xi32, #tpu.memory_space<vmem>>
    %dma_start3A_24 = arith.constant 0 : i32
    %dma_start3A_25 = arith.constant 0 : i32
    %dma_start3A_26 = tpu.memref_slice %arg10[%dma_start3A_24, %dma_start3A_25] : memref<10000x32xf32, #tpu.memory_space<vmem_shared>> -> memref<10000x32xf32, #tpu.memory_space<vmem_shared>>
    %dma_start3A_27 = tpu.memref_slice %arg11[%dma_start3A_16] : memref<12x!tpu.dma_semaphore, #tpu.memory_space<semaphore_mem>> -> memref<1x!tpu.dma_semaphore, #tpu.memory_space<semaphore_mem>>
    %dma_start3A_28 = tpu.memref_squeeze %dma_start3A_27 : memref<1x!tpu.dma_semaphore, #tpu.memory_space<semaphore_mem>> -> memref<!tpu.dma_semaphore, #tpu.memory_space<semaphore_mem>>
    tpu.enqueue_indirect_dma source(%dma_start3A_26 : memref<10000x32xf32, #tpu.memory_space<vmem_shared>>) target(%dma_start3A_20 : memref<128x32xf32, #tpu.memory_space<vmem>>) offsets(%dma_start3A_23 : memref<128xi32, #tpu.memory_space<vmem>>) semaphore(%dma_start3A_28 : memref<!tpu.dma_semaphore, #tpu.memory_space<semaphore_mem>>)
    %dma_start3A_29 = arith.constant 1 : i32
    %dma_start3A_30 = arith.constant 1 : i32
    %dma_start3A_31 = arith.constant 1 : i32
    %dma_start3A_32 = arith.constant 0 : i32
    %dma_start3A_33 = arith.constant 0 : i32
    %dma_start3A_34 = tpu.memref_slice %arg8[%dma_start3A_30, %dma_start3A_32, %dma_start3A_33] : memref<12x128x32xf32, #tpu.memory_space<vmem>> -> memref<1x128x32xf32, #tpu.memory_space<vmem>>
    %dma_start3A_35 = tpu.memref_squeeze %dma_start3A_34 : memref<1x128x32xf32, #tpu.memory_space<vmem>> -> memref<128x32xf32, #tpu.memory_space<vmem>>
    %dma_start3A_36 = arith.constant 0 : i32
    %dma_start3A_37 = tpu.memref_slice %arg6[%dma_start3A_29, %dma_start3A_36] : memref<158x128xi32, #tpu.memory_space<vmem>> -> memref<1x128xi32, #tpu.memory_space<vmem>>
    %dma_start3A_38 = tpu.memref_squeeze %dma_start3A_37 : memref<1x128xi32, #tpu.memory_space<vmem>> -> memref<128xi32, #tpu.memory_space<vmem>>
    %dma_start3A_39 = arith.constant 0 : i32
    %dma_start3A_40 = arith.constant 0 : i32
    %dma_start3A_41 = tpu.memref_slice %arg10[%dma_start3A_39, %dma_start3A_40] : memref<10000x32xf32, #tpu.memory_space<vmem_shared>> -> memref<10000x32xf32, #tpu.memory_space<vmem_shared>>
    %dma_start3A_42 = tpu.memref_slice %arg11[%dma_start3A_31] : memref<12x!tpu.dma_semaphore, #tpu.memory_space<semaphore_mem>> -> memref<1x!tpu.dma_semaphore, #tpu.memory_space<semaphore_mem>>
    %dma_start3A_43 = tpu.memref_squeeze %dma_start3A_42 : memref<1x!tpu.dma_semaphore, #tpu.memory_space<semaphore_mem>> -> memref<!tpu.dma_semaphore, #tpu.memory_space<semaphore_mem>>
    tpu.enqueue_indirect_dma source(%dma_start3A_41 : memref<10000x32xf32, #tpu.memory_space<vmem_shared>>) target(%dma_start3A_35 : memref<128x32xf32, #tpu.memory_space<vmem>>) offsets(%dma_start3A_38 : memref<128xi32, #tpu.memory_space<vmem>>) semaphore(%dma_start3A_43 : memref<!tpu.dma_semaphore, #tpu.memory_space<semaphore_mem>>)
    %dma_start3A_44 = arith.constant 2 : i32
    %dma_start3A_45 = arith.constant 2 : i32
    %dma_start3A_46 = arith.constant 2 : i32
    %dma_start3A_47 = arith.constant 0 : i32
    %dma_start3A_48 = arith.constant 0 : i32
    %dma_start3A_49 = tpu.memref_slice %arg8[%dma_start3A_45, %dma_start3A_47, %dma_start3A_48] : memref<12x128x32xf32, #tpu.memory_space<vmem>> -> memref<1x128x32xf32, #tpu.memory_space<vmem>>
    %dma_start3A_50 = tpu.memref_squeeze %dma_start3A_49 : memref<1x128x32xf32, #tpu.memory_space<vmem>> -> memref<128x32xf32, #tpu.memory_space<vmem>>
    %dma_start3A_51 = arith.constant 0 : i32
    %dma_start3A_52 = tpu.memref_slice %arg6[%dma_start3A_44, %dma_start3A_51] : memref<158x128xi32, #tpu.memory_space<vmem>> -> memref<1x128xi32, #tpu.memory_space<vmem>>
    %dma_start3A_53 = tpu.memref_squeeze %dma_start3A_52 : memref<1x128xi32, #tpu.memory_space<vmem>> -> memref<128xi32, #tpu.memory_space<vmem>>
    %dma_start3A_54 = arith.constant 0 : i32
    %dma_start3A_55 = arith.constant 0 : i32
    %dma_start3A_56 = tpu.memref_slice %arg10[%dma_start3A_54, %dma_start3A_55] : memref<10000x32xf32, #tpu.memory_space<vmem_shared>> -> memref<10000x32xf32, #tpu.memory_space<vmem_shared>>
    %dma_start3A_57 = tpu.memref_slice %arg11[%dma_start3A_46] : memref<12x!tpu.dma_semaphore, #tpu.memory_space<semaphore_mem>> -> memref<1x!tpu.dma_semaphore, #tpu.memory_space<semaphore_mem>>
    %dma_start3A_58 = tpu.memref_squeeze %dma_start3A_57 : memref<1x!tpu.dma_semaphore, #tpu.memory_space<semaphore_mem>> -> memref<!tpu.dma_semaphore, #tpu.memory_space<semaphore_mem>>
    tpu.enqueue_indirect_dma source(%dma_start3A_56 : memref<10000x32xf32, #tpu.memory_space<vmem_shared>>) target(%dma_start3A_50 : memref<128x32xf32, #tpu.memory_space<vmem>>) offsets(%dma_start3A_53 : memref<128xi32, #tpu.memory_space<vmem>>) semaphore(%dma_start3A_58 : memref<!tpu.dma_semaphore, #tpu.memory_space<semaphore_mem>>)
    %dma_start3A_59 = arith.constant 3 : i32
    %dma_start3A_60 = arith.constant 3 : i32
    %dma_start3A_61 = arith.constant 3 : i32
    %dma_start3A_62 = arith.constant 0 : i32
    %dma_start3A_63 = arith.constant 0 : i32
    %dma_start3A_64 = tpu.memref_slice %arg8[%dma_start3A_60, %dma_start3A_62, %dma_start3A_63] : memref<12x128x32xf32, #tpu.memory_space<vmem>> -> memref<1x128x32xf32, #tpu.memory_space<vmem>>
    %dma_start3A_65 = tpu.memref_squeeze %dma_start3A_64 : memref<1x128x32xf32, #tpu.memory_space<vmem>> -> memref<128x32xf32, #tpu.memory_space<vmem>>
    %dma_start3A_66 = arith.constant 0 : i32
    %dma_start3A_67 = tpu.memref_slice %arg6[%dma_start3A_59, %dma_start3A_66] : memref<158x128xi32, #tpu.memory_space<vmem>> -> memref<1x128xi32, #tpu.memory_space<vmem>>
    %dma_start3A_68 = tpu.memref_squeeze %dma_start3A_67 : memref<1x128xi32, #tpu.memory_space<vmem>> -> memref<128xi32, #tpu.memory_space<vmem>>
    %dma_start3A_69 = arith.constant 0 : i32
    %dma_start3A_70 = arith.constant 0 : i32
    %dma_start3A_71 = tpu.memref_slice %arg10[%dma_start3A_69, %dma_start3A_70] : memref<10000x32xf32, #tpu.memory_space<vmem_shared>> -> memref<10000x32xf32, #tpu.memory_space<vmem_shared>>
    %dma_start3A_72 = tpu.memref_slice %arg11[%dma_start3A_61] : memref<12x!tpu.dma_semaphore, #tpu.memory_space<semaphore_mem>> -> memref<1x!tpu.dma_semaphore, #tpu.memory_space<semaphore_mem>>
    %dma_start3A_73 = tpu.memref_squeeze %dma_start3A_72 : memref<1x!tpu.dma_semaphore, #tpu.memory_space<semaphore_mem>> -> memref<!tpu.dma_semaphore, #tpu.memory_space<semaphore_mem>>
    tpu.enqueue_indirect_dma source(%dma_start3A_71 : memref<10000x32xf32, #tpu.memory_space<vmem_shared>>) target(%dma_start3A_65 : memref<128x32xf32, #tpu.memory_space<vmem>>) offsets(%dma_start3A_68 : memref<128xi32, #tpu.memory_space<vmem>>) semaphore(%dma_start3A_73 : memref<!tpu.dma_semaphore, #tpu.memory_space<semaphore_mem>>)
    %scan3A_74 = arith.constant 0 : i32
    %scan3A_75 = arith.constant 0 : i32
    %scan3A_76 = arith.constant 158 : i32
    %scan3A_77 = arith.addi %scan3A_75, %scan3A_76 : i32
    %scan3A_78 = arith.constant 1 : i32
    scf.for %scan3A_91 = %scan3A_75 to %scan3A_77 step %scan3A_78  : i32 {
      %add3A = arith.constant 4 : i32
      %add3A_92 = arith.addi %scan3A_91, %add3A : i32
      %rem3A = arith.constant 12 : i32
      %rem3A_93 = arith.remsi %add3A_92, %rem3A : i32
      %add3A_94 = arith.constant 4 : i32
      %add3A_95 = arith.addi %scan3A_91, %add3A_94 : i32
      %lt3A = arith.constant 158 : i32
      %lt3A_96 = arith.cmpi slt, %add3A_95, %lt3A : i32
      %convert_element_type3A = arith.extui %lt3A_96 : i1 to i32
      %cond3A = arith.constant 0 : i32
      %cond3A_97 = arith.cmpi ne, %convert_element_type3A, %cond3A : i32
      scf.if %cond3A_97 {
        %ge3A = arith.constant 8 : i32
        %ge3A_123 = arith.cmpi sge, %scan3A_91, %ge3A : i32
        %convert_element_type3A_124 = arith.extui %ge3A_123 : i1 to i32
        %cond3A_125 = arith.constant 0 : i32
        %cond3A_126 = arith.cmpi ne, %convert_element_type3A_124, %cond3A_125 : i32
        scf.if %cond3A_126 {
          %dma_wait3A_141 = arith.constant 0 : i32
          %dma_wait3A_142 = arith.constant 0 : i32
          %dma_wait3A_143 = tpu.memref_slice %arg8[%rem3A_93, %dma_wait3A_141, %dma_wait3A_142] : memref<12x128x32xf32, #tpu.memory_space<vmem>> -> memref<1x128x32xf32, #tpu.memory_space<vmem>>
          %dma_wait3A_144 = tpu.memref_squeeze %dma_wait3A_143 : memref<1x128x32xf32, #tpu.memory_space<vmem>> -> memref<128x32xf32, #tpu.memory_space<vmem>>
          %dma_wait3A_145 = arith.constant 0 : i32
          %dma_wait3A_146 = tpu.memref_slice %arg7[%scan3A_91, %dma_wait3A_145] : memref<158x128xi32, #tpu.memory_space<vmem>> -> memref<1x128xi32, #tpu.memory_space<vmem>>
          %dma_wait3A_147 = tpu.memref_squeeze %dma_wait3A_146 : memref<1x128xi32, #tpu.memory_space<vmem>> -> memref<128xi32, #tpu.memory_space<vmem>>
          %dma_wait3A_148 = arith.constant 0 : i32
          %dma_wait3A_149 = arith.constant 0 : i32
          %dma_wait3A_150 = tpu.memref_slice %arg9[%dma_wait3A_148, %dma_wait3A_149] : memref<10240x32xf32, #tpu.memory_space<vmem_shared>> -> memref<10240x32xf32, #tpu.memory_space<vmem_shared>>
          %dma_wait3A_151 = tpu.memref_slice %arg12[%rem3A_93] : memref<12x!tpu.dma_semaphore, #tpu.memory_space<semaphore_mem>> -> memref<1x!tpu.dma_semaphore, #tpu.memory_space<semaphore_mem>>
          %dma_wait3A_152 = tpu.memref_squeeze %dma_wait3A_151 : memref<1x!tpu.dma_semaphore, #tpu.memory_space<semaphore_mem>> -> memref<!tpu.dma_semaphore, #tpu.memory_space<semaphore_mem>>
          tpu.wait_indirect_dma semaphore(%dma_wait3A_152 : memref<!tpu.dma_semaphore, #tpu.memory_space<semaphore_mem>>) src(%dma_wait3A_144 : memref<128x32xf32, #tpu.memory_space<vmem>>) dst(%dma_wait3A_150 : memref<10240x32xf32, #tpu.memory_space<vmem_shared>>)
        } else {
        }
        %add3A_127 = arith.constant 4 : i32
        %add3A_128 = arith.addi %scan3A_91, %add3A_127 : i32
        %dma_start3A_129 = arith.constant 0 : i32
        %dma_start3A_130 = arith.constant 0 : i32
        %dma_start3A_131 = tpu.memref_slice %arg8[%rem3A_93, %dma_start3A_129, %dma_start3A_130] : memref<12x128x32xf32, #tpu.memory_space<vmem>> -> memref<1x128x32xf32, #tpu.memory_space<vmem>>
        %dma_start3A_132 = tpu.memref_squeeze %dma_start3A_131 : memref<1x128x32xf32, #tpu.memory_space<vmem>> -> memref<128x32xf32, #tpu.memory_space<vmem>>
        %dma_start3A_133 = arith.constant 0 : i32
        %dma_start3A_134 = tpu.memref_slice %arg6[%add3A_128, %dma_start3A_133] : memref<158x128xi32, #tpu.memory_space<vmem>> -> memref<1x128xi32, #tpu.memory_space<vmem>>
        %dma_start3A_135 = tpu.memref_squeeze %dma_start3A_134 : memref<1x128xi32, #tpu.memory_space<vmem>> -> memref<128xi32, #tpu.memory_space<vmem>>
        %dma_start3A_136 = arith.constant 0 : i32
        %dma_start3A_137 = arith.constant 0 : i32
        %dma_start3A_138 = tpu.memref_slice %arg10[%dma_start3A_136, %dma_start3A_137] : memref<10000x32xf32, #tpu.memory_space<vmem_shared>> -> memref<10000x32xf32, #tpu.memory_space<vmem_shared>>
        %dma_start3A_139 = tpu.memref_slice %arg11[%rem3A_93] : memref<12x!tpu.dma_semaphore, #tpu.memory_space<semaphore_mem>> -> memref<1x!tpu.dma_semaphore, #tpu.memory_space<semaphore_mem>>
        %dma_start3A_140 = tpu.memref_squeeze %dma_start3A_139 : memref<1x!tpu.dma_semaphore, #tpu.memory_space<semaphore_mem>> -> memref<!tpu.dma_semaphore, #tpu.memory_space<semaphore_mem>>
        tpu.enqueue_indirect_dma source(%dma_start3A_138 : memref<10000x32xf32, #tpu.memory_space<vmem_shared>>) target(%dma_start3A_132 : memref<128x32xf32, #tpu.memory_space<vmem>>) offsets(%dma_start3A_135 : memref<128xi32, #tpu.memory_space<vmem>>) semaphore(%dma_start3A_140 : memref<!tpu.dma_semaphore, #tpu.memory_space<semaphore_mem>>)
      } else {
      }
      %rem3A_98 = arith.constant 12 : i32
      %rem3A_99 = arith.remsi %scan3A_91, %rem3A_98 : i32
      %dma_wait3A = arith.constant 0 : i32
      %dma_wait3A_100 = arith.constant 0 : i32
      %dma_wait3A_101 = tpu.memref_slice %arg8[%rem3A_99, %dma_wait3A, %dma_wait3A_100] : memref<12x128x32xf32, #tpu.memory_space<vmem>> -> memref<1x128x32xf32, #tpu.memory_space<vmem>>
      %dma_wait3A_102 = tpu.memref_squeeze %dma_wait3A_101 : memref<1x128x32xf32, #tpu.memory_space<vmem>> -> memref<128x32xf32, #tpu.memory_space<vmem>>
      %dma_wait3A_103 = arith.constant 0 : i32
      %dma_wait3A_104 = tpu.memref_slice %arg6[%scan3A_91, %dma_wait3A_103] : memref<158x128xi32, #tpu.memory_space<vmem>> -> memref<1x128xi32, #tpu.memory_space<vmem>>
      %dma_wait3A_105 = tpu.memref_squeeze %dma_wait3A_104 : memref<1x128xi32, #tpu.memory_space<vmem>> -> memref<128xi32, #tpu.memory_space<vmem>>
      %dma_wait3A_106 = arith.constant 0 : i32
      %dma_wait3A_107 = arith.constant 0 : i32
      %dma_wait3A_108 = tpu.memref_slice %arg10[%dma_wait3A_106, %dma_wait3A_107] : memref<10000x32xf32, #tpu.memory_space<vmem_shared>> -> memref<10000x32xf32, #tpu.memory_space<vmem_shared>>
      %dma_wait3A_109 = tpu.memref_slice %arg11[%rem3A_99] : memref<12x!tpu.dma_semaphore, #tpu.memory_space<semaphore_mem>> -> memref<1x!tpu.dma_semaphore, #tpu.memory_space<semaphore_mem>>
      %dma_wait3A_110 = tpu.memref_squeeze %dma_wait3A_109 : memref<1x!tpu.dma_semaphore, #tpu.memory_space<semaphore_mem>> -> memref<!tpu.dma_semaphore, #tpu.memory_space<semaphore_mem>>
      tpu.wait_indirect_dma semaphore(%dma_wait3A_110 : memref<!tpu.dma_semaphore, #tpu.memory_space<semaphore_mem>>) src(%dma_wait3A_108 : memref<10000x32xf32, #tpu.memory_space<vmem_shared>>) dst(%dma_wait3A_102 : memref<128x32xf32, #tpu.memory_space<vmem>>)
      %dma_start3A_111 = arith.constant 0 : i32
      %dma_start3A_112 = arith.constant 0 : i32
      %dma_start3A_113 = tpu.memref_slice %arg8[%rem3A_99, %dma_start3A_111, %dma_start3A_112] : memref<12x128x32xf32, #tpu.memory_space<vmem>> -> memref<1x128x32xf32, #tpu.memory_space<vmem>>
      %dma_start3A_114 = tpu.memref_squeeze %dma_start3A_113 : memref<1x128x32xf32, #tpu.memory_space<vmem>> -> memref<128x32xf32, #tpu.memory_space<vmem>>
      %dma_start3A_115 = arith.constant 0 : i32
      %dma_start3A_116 = tpu.memref_slice %arg7[%scan3A_91, %dma_start3A_115] : memref<158x128xi32, #tpu.memory_space<vmem>> -> memref<1x128xi32, #tpu.memory_space<vmem>>
      %dma_start3A_117 = tpu.memref_squeeze %dma_start3A_116 : memref<1x128xi32, #tpu.memory_space<vmem>> -> memref<128xi32, #tpu.memory_space<vmem>>
      %dma_start3A_118 = arith.constant 0 : i32
      %dma_start3A_119 = arith.constant 0 : i32
      %dma_start3A_120 = tpu.memref_slice %arg9[%dma_start3A_118, %dma_start3A_119] : memref<10240x32xf32, #tpu.memory_space<vmem_shared>> -> memref<10240x32xf32, #tpu.memory_space<vmem_shared>>
      %dma_start3A_121 = tpu.memref_slice %arg12[%rem3A_99] : memref<12x!tpu.dma_semaphore, #tpu.memory_space<semaphore_mem>> -> memref<1x!tpu.dma_semaphore, #tpu.memory_space<semaphore_mem>>
      %dma_start3A_122 = tpu.memref_squeeze %dma_start3A_121 : memref<1x!tpu.dma_semaphore, #tpu.memory_space<semaphore_mem>> -> memref<!tpu.dma_semaphore, #tpu.memory_space<semaphore_mem>>
      tpu.enqueue_indirect_dma source(%dma_start3A_114 : memref<128x32xf32, #tpu.memory_space<vmem>>) target(%dma_start3A_120 : memref<10240x32xf32, #tpu.memory_space<vmem_shared>>) offsets(%dma_start3A_117 : memref<128xi32, #tpu.memory_space<vmem>>) semaphore(%dma_start3A_122 : memref<!tpu.dma_semaphore, #tpu.memory_space<semaphore_mem>>) {add = true}
    }
    %scan3A_79 = arith.constant 158 : i32
    %scan3A_80 = arith.constant 0 : i32
    %scan3A_81 = arith.constant 146 : i32
    %scan3A_82 = arith.constant 12 : i32
    %scan3A_83 = arith.addi %scan3A_81, %scan3A_82 : i32
    %scan3A_84 = arith.constant 1 : i32
    scf.for %scan3A_91 = %scan3A_81 to %scan3A_83 step %scan3A_84  : i32 {
      %rem3A = arith.constant 12 : i32
      %rem3A_92 = arith.remsi %scan3A_91, %rem3A : i32
      %rem3A_93 = arith.constant 12 : i32
      %rem3A_94 = arith.remsi %scan3A_91, %rem3A_93 : i32
      %dma_wait3A = arith.constant 0 : i32
      %dma_wait3A_95 = arith.constant 0 : i32
      %dma_wait3A_96 = tpu.memref_slice %arg8[%rem3A_92, %dma_wait3A, %dma_wait3A_95] : memref<12x128x32xf32, #tpu.memory_space<vmem>> -> memref<1x128x32xf32, #tpu.memory_space<vmem>>
      %dma_wait3A_97 = tpu.memref_squeeze %dma_wait3A_96 : memref<1x128x32xf32, #tpu.memory_space<vmem>> -> memref<128x32xf32, #tpu.memory_space<vmem>>
      %dma_wait3A_98 = arith.constant 0 : i32
      %dma_wait3A_99 = tpu.memref_slice %arg7[%scan3A_91, %dma_wait3A_98] : memref<158x128xi32, #tpu.memory_space<vmem>> -> memref<1x128xi32, #tpu.memory_space<vmem>>
      %dma_wait3A_100 = tpu.memref_squeeze %dma_wait3A_99 : memref<1x128xi32, #tpu.memory_space<vmem>> -> memref<128xi32, #tpu.memory_space<vmem>>
      %dma_wait3A_101 = arith.constant 0 : i32
      %dma_wait3A_102 = arith.constant 0 : i32
      %dma_wait3A_103 = tpu.memref_slice %arg9[%dma_wait3A_101, %dma_wait3A_102] : memref<10240x32xf32, #tpu.memory_space<vmem_shared>> -> memref<10240x32xf32, #tpu.memory_space<vmem_shared>>
      %dma_wait3A_104 = tpu.memref_slice %arg12[%rem3A_94] : memref<12x!tpu.dma_semaphore, #tpu.memory_space<semaphore_mem>> -> memref<1x!tpu.dma_semaphore, #tpu.memory_space<semaphore_mem>>
      %dma_wait3A_105 = tpu.memref_squeeze %dma_wait3A_104 : memref<1x!tpu.dma_semaphore, #tpu.memory_space<semaphore_mem>> -> memref<!tpu.dma_semaphore, #tpu.memory_space<semaphore_mem>>
      tpu.wait_indirect_dma semaphore(%dma_wait3A_105 : memref<!tpu.dma_semaphore, #tpu.memory_space<semaphore_mem>>) src(%dma_wait3A_97 : memref<128x32xf32, #tpu.memory_space<vmem>>) dst(%dma_wait3A_103 : memref<10240x32xf32, #tpu.memory_space<vmem_shared>>)
    }
    %scan3A_85 = arith.constant 12 : i32
    %barrier3A_86 = arith.constant 0 : index
    tpu.barrier barrier_id(%barrier3A_86)
    %mul3A_87 = arith.constant 640 : i32
    %mul3A_88 = arith.muli %arg1, %mul3A_87 : i32
    %mul3A_89 = arith.constant 640 : i32
    %mul3A_90 = arith.muli %arg1, %mul3A_89 : i32
    "tpu.region"() ({
      %run_scoped3A = tpu.sem_alloc : memref<!tpu.dma_semaphore, #tpu.memory_space<semaphore_mem>>
      %dma_start3A_91 = arith.constant 0 : i32
      %dma_start3A_92 = tpu.memref_slice %arg5[%arg0, %mul3A_90, %dma_start3A_91] : memref<2x10240x32xf32, #tpu.memory_space<hbm>> -> memref<1x640x32xf32, #tpu.memory_space<hbm>>
      %dma_start3A_93 = tpu.memref_squeeze %dma_start3A_92 : memref<1x640x32xf32, #tpu.memory_space<hbm>> -> memref<640x32xf32, #tpu.memory_space<hbm>>
      %dma_start3A_94 = arith.constant 0 : i32
      %dma_start3A_95 = tpu.memref_slice %arg9[%mul3A_88, %dma_start3A_94] : memref<10240x32xf32, #tpu.memory_space<vmem_shared>> -> memref<640x32xf32, #tpu.memory_space<vmem_shared>>
      tpu.enqueue_dma source(%dma_start3A_95 : memref<640x32xf32, #tpu.memory_space<vmem_shared>>) target(%dma_start3A_93 : memref<640x32xf32, #tpu.memory_space<hbm>>) target_semaphore(%run_scoped3A : memref<!tpu.dma_semaphore, #tpu.memory_space<semaphore_mem>>)
      %dma_wait3A = arith.constant 0 : i32
      %dma_wait3A_96 = tpu.memref_slice %arg5[%arg0, %mul3A_90, %dma_wait3A] : memref<2x10240x32xf32, #tpu.memory_space<hbm>> -> memref<1x640x32xf32, #tpu.memory_space<hbm>>
      %dma_wait3A_97 = tpu.memref_squeeze %dma_wait3A_96 : memref<1x640x32xf32, #tpu.memory_space<hbm>> -> memref<640x32xf32, #tpu.memory_space<hbm>>
      %dma_wait3A_98 = arith.constant 0 : i32
      %dma_wait3A_99 = tpu.memref_slice %arg9[%mul3A_88, %dma_wait3A_98] : memref<10240x32xf32, #tpu.memory_space<vmem_shared>> -> memref<640x32xf32, #tpu.memory_space<vmem_shared>>
      tpu.wait_dma2 semaphore(%run_scoped3A : memref<!tpu.dma_semaphore, #tpu.memory_space<semaphore_mem>>) src(%dma_wait3A_99 : memref<640x32xf32, #tpu.memory_space<vmem_shared>>) dst(%dma_wait3A_97 : memref<640x32xf32, #tpu.memory_space<hbm>>)
      tpu.yield
    }) : () -> ()
    return
  }
}

module attributes {stable_mosaic.version = 14 : i64} {
  func.func @_tc_xw(%arg0: i32, %arg1: memref<2000x128xf32, #tpu.memory_space<vmem>>, %arg2: memref<128x64xf32, #tpu.memory_space<vmem>>, %arg3: memref<2000x64xf32, #tpu.memory_space<vmem>>) attributes {dimension_semantics = [#tpu.dimension_semantics<arbitrary>], iteration_bounds = array<i64: 5>, scalar_prefetch = 0 : i64, scratch_operands = 0 : i64, tpu.core_type = #tpu.core_type<tc>, window_params = [{transform_indices = @transform_0, window_bounds = array<i64: 2000, 128>}, {pipeline_mode = #tpu.pipeline_mode<synchronous>, transform_indices = @transform_1, window_bounds = array<i64: 128, 64>}, {transform_indices = @transform_2, window_bounds = array<i64: 2000, 64>}]} {
    %get3A = arith.constant 0 : index
    %get3A_0 = arith.constant 0 : index
    %get3A_1 = vector.load %arg1[%get3A, %get3A_0] : memref<2000x128xf32, #tpu.memory_space<vmem>>, vector<2000x128xf32>
    %get3A_2 = arith.constant 0 : index
    %get3A_3 = arith.constant 0 : index
    %get3A_4 = vector.load %arg2[%get3A_2, %get3A_3] : memref<128x64xf32, #tpu.memory_space<vmem>>, vector<128x64xf32>
    %dot_general3A = arith.constant dense<0.000000e+00> : vector<2000x64xf32>
    %dot_general3A_5 = tpu.matmul %get3A_1, %get3A_4, %dot_general3A {dimension_numbers = #tpu.dot_dimension_numbers<[1], [0], [0], [1], [0, 0, 1, 1], [], []>, transpose_lhs_hint = false} : vector<2000x128xf32>, vector<128x64xf32>, vector<2000x64xf32> -> vector<2000x64xf32>
    %swap3A = arith.constant 0 : index
    %swap3A_6 = arith.constant 0 : index
    %swap3A_7 = vector.load %arg3[%swap3A, %swap3A_6] : memref<2000x64xf32, #tpu.memory_space<vmem>>, vector<2000x64xf32>
    tpu.vector_store %arg3[%swap3A, %swap3A_6], %dot_general3A_5 {strides = array<i32>} : memref<2000x64xf32, #tpu.memory_space<vmem>>, vector<2000x64xf32>,
    return
  }
  func.func @transform_0(%arg0: i32) -> (i32, i32) {
    %c0_i32 = arith.constant 0 : i32
    %c0_i32_0 = arith.constant 0 : i32
    return %arg0, %c0_i32 : i32, i32
  }
  func.func @transform_1(%arg0: i32) -> (i32, i32) {
    %c0_i32 = arith.constant 0 : i32
    %c0_i32_0 = arith.constant 0 : i32
    %c0_i32_1 = arith.constant 0 : i32
    return %c0_i32, %c0_i32_0 : i32, i32
  }
  func.func @transform_2(%arg0: i32) -> (i32, i32) {
    %c0_i32 = arith.constant 0 : i32
    %c0_i32_0 = arith.constant 0 : i32
    return %arg0, %c0_i32 : i32, i32
  }
}

module attributes {stable_mosaic.version = 14 : i64} {
  func.func @_tc_scale(%arg0: i32, %arg1: memref<2x2000x8xf32, #tpu.memory_space<vmem>>, %arg2: memref<2000x64xf32, #tpu.memory_space<vmem>>, %arg3: memref<2x2000x32xf32, #tpu.memory_space<vmem>>, %arg4: memref<2000x1xf32, #tpu.memory_space<vmem>>) attributes {dimension_semantics = [#tpu.dimension_semantics<arbitrary>], iteration_bounds = array<i64: 5>, scalar_prefetch = 0 : i64, scratch_operands = 0 : i64, tpu.core_type = #tpu.core_type<tc>, window_params = [{transform_indices = @transform_0, window_bounds = array<i64: 2, 2000, 8>}, {transform_indices = @transform_1, window_bounds = array<i64: 2000, 64>}, {transform_indices = @transform_2, window_bounds = array<i64: 2, 2000, 32>}, {transform_indices = @transform_3, window_bounds = array<i64: 2000, 1>}]} {
    %get3A = arith.constant 0 : index
    %get3A_0 = arith.constant 0 : index
    %get3A_1 = arith.constant 0 : index
    %get3A_2 = vector.load %arg1[%get3A, %get3A_0, %get3A_1] : memref<2x2000x8xf32, #tpu.memory_space<vmem>>, vector<1x2000x1xf32>
    %get3A_3 = vector.shape_cast %get3A_2 : vector<1x2000x1xf32> to vector<2000x1xf32>
    %get3A_4 = arith.constant 1 : index
    %get3A_5 = arith.constant 0 : index
    %get3A_6 = arith.constant 0 : index
    %get3A_7 = vector.load %arg1[%get3A_4, %get3A_5, %get3A_6] : memref<2x2000x8xf32, #tpu.memory_space<vmem>>, vector<1x2000x1xf32>
    %get3A_8 = vector.shape_cast %get3A_7 : vector<1x2000x1xf32> to vector<2000x1xf32>
    %add3A = arith.addf %get3A_3, %get3A_8 : vector<2000x1xf32>
    %add3A_9 = arith.constant 1.000000e+00 : f32
    %add3A_10 = vector.broadcast %add3A_9 : f32 to vector<2000x1xf32>
    %add3A_11 = arith.addf %add3A, %add3A_10 : vector<2000x1xf32>
    %rsqrt3A = math.rsqrt %add3A_11 : vector<2000x1xf32>
    %swap3A = arith.constant 0 : index
    %swap3A_12 = arith.constant 0 : index
    %swap3A_13 = vector.load %arg4[%swap3A, %swap3A_12] : memref<2000x1xf32, #tpu.memory_space<vmem>>, vector<2000x1xf32>
    tpu.vector_store %arg4[%swap3A, %swap3A_12], %rsqrt3A {strides = array<i32>} : memref<2000x1xf32, #tpu.memory_space<vmem>>, vector<2000x1xf32>,
    %get3A_14 = arith.constant 0 : index
    %get3A_15 = arith.constant 0 : index
    %get3A_16 = vector.load %arg2[%get3A_14, %get3A_15] : memref<2000x64xf32, #tpu.memory_space<vmem>>, vector<2000x64xf32>
    %mul3A = vector.broadcast %rsqrt3A : vector<2000x1xf32> to vector<2000x64xf32>
    %mul3A_17 = arith.mulf %get3A_16, %mul3A : vector<2000x64xf32>
    %slice3A = vector.extract_strided_slice %mul3A_17 {offsets = [0, 0], sizes = [2000, 32], strides = [1, 1]} : vector<2000x64xf32> to vector<2000x32xf32>
    %swap3A_18 = arith.constant 0 : index
    %swap3A_19 = arith.constant 0 : index
    %swap3A_20 = arith.constant 0 : index
    %swap3A_21 = vector.load %arg3[%swap3A_18, %swap3A_19, %swap3A_20] : memref<2x2000x32xf32, #tpu.memory_space<vmem>>, vector<1x2000x32xf32>
    %swap3A_22 = vector.shape_cast %swap3A_21 : vector<1x2000x32xf32> to vector<2000x32xf32>
    %swap3A_23 = vector.shape_cast %slice3A : vector<2000x32xf32> to vector<1x2000x32xf32>
    tpu.vector_store %arg3[%swap3A_18, %swap3A_19, %swap3A_20], %swap3A_23 {strides = array<i32>} : memref<2x2000x32xf32, #tpu.memory_space<vmem>>, vector<1x2000x32xf32>,
    %slice3A_24 = vector.extract_strided_slice %mul3A_17 {offsets = [0, 32], sizes = [2000, 32], strides = [1, 1]} : vector<2000x64xf32> to vector<2000x32xf32>
    %swap3A_25 = arith.constant 1 : index
    %swap3A_26 = arith.constant 0 : index
    %swap3A_27 = arith.constant 0 : index
    %swap3A_28 = vector.load %arg3[%swap3A_25, %swap3A_26, %swap3A_27] : memref<2x2000x32xf32, #tpu.memory_space<vmem>>, vector<1x2000x32xf32>
    %swap3A_29 = vector.shape_cast %swap3A_28 : vector<1x2000x32xf32> to vector<2000x32xf32>
    %swap3A_30 = vector.shape_cast %slice3A_24 : vector<2000x32xf32> to vector<1x2000x32xf32>
    tpu.vector_store %arg3[%swap3A_25, %swap3A_26, %swap3A_27], %swap3A_30 {strides = array<i32>} : memref<2x2000x32xf32, #tpu.memory_space<vmem>>, vector<1x2000x32xf32>,
    return
  }
  func.func @transform_0(%arg0: i32) -> (i32, i32, i32) {
    %c0_i32 = arith.constant 0 : i32
    %c0_i32_0 = arith.constant 0 : i32
    %c0_i32_1 = arith.constant 0 : i32
    return %c0_i32, %arg0, %c0_i32_0 : i32, i32, i32
  }
  func.func @transform_1(%arg0: i32) -> (i32, i32) {
    %c0_i32 = arith.constant 0 : i32
    %c0_i32_0 = arith.constant 0 : i32
    return %arg0, %c0_i32 : i32, i32
  }
  func.func @transform_2(%arg0: i32) -> (i32, i32, i32) {
    %c0_i32 = arith.constant 0 : i32
    %c0_i32_0 = arith.constant 0 : i32
    %c0_i32_1 = arith.constant 0 : i32
    return %c0_i32, %arg0, %c0_i32_0 : i32, i32, i32
  }
  func.func @transform_3(%arg0: i32) -> (i32, i32) {
    %c0_i32 = arith.constant 0 : i32
    %c0_i32_0 = arith.constant 0 : i32
    return %arg0, %c0_i32 : i32, i32
  }
}

module attributes {stable_mosaic.version = 14 : i64} {
  func.func @_tc_mid(%arg0: i32, %arg1: memref<2x2000x32xf32, #tpu.memory_space<vmem>>, %arg2: memref<2x2000x32xf32, #tpu.memory_space<vmem>>, %arg3: memref<2000x1xf32, #tpu.memory_space<vmem>>, %arg4: memref<1x64xf32, #tpu.memory_space<vmem>>, %arg5: memref<64x32xf32, #tpu.memory_space<vmem>>, %arg6: memref<2000x32xf32, #tpu.memory_space<vmem>>) attributes {dimension_semantics = [#tpu.dimension_semantics<arbitrary>], iteration_bounds = array<i64: 5>, scalar_prefetch = 0 : i64, scratch_operands = 0 : i64, tpu.core_type = #tpu.core_type<tc>, window_params = [{transform_indices = @transform_0, window_bounds = array<i64: 2, 2000, 32>}, {transform_indices = @transform_1, window_bounds = array<i64: 2, 2000, 32>}, {transform_indices = @transform_2, window_bounds = array<i64: 2000, 1>}, {pipeline_mode = #tpu.pipeline_mode<synchronous>, transform_indices = @transform_3, window_bounds = array<i64: 1, 64>}, {pipeline_mode = #tpu.pipeline_mode<synchronous>, transform_indices = @transform_4, window_bounds = array<i64: 64, 32>}, {transform_indices = @transform_5, window_bounds = array<i64: 2000, 32>}]} {
    %get3A = arith.constant 0 : index
    %get3A_0 = arith.constant 0 : index
    %get3A_1 = arith.constant 0 : index
    %get3A_2 = vector.load %arg1[%get3A, %get3A_0, %get3A_1] : memref<2x2000x32xf32, #tpu.memory_space<vmem>>, vector<1x2000x32xf32>
    %get3A_3 = vector.shape_cast %get3A_2 : vector<1x2000x32xf32> to vector<2000x32xf32>
    %get3A_4 = arith.constant 0 : index
    %get3A_5 = arith.constant 0 : index
    %get3A_6 = arith.constant 0 : index
    %get3A_7 = vector.load %arg2[%get3A_4, %get3A_5, %get3A_6] : memref<2x2000x32xf32, #tpu.memory_space<vmem>>, vector<1x2000x32xf32>
    %get3A_8 = vector.shape_cast %get3A_7 : vector<1x2000x32xf32> to vector<2000x32xf32>
    %add3A = arith.addf %get3A_3, %get3A_8 : vector<2000x32xf32>
    %get3A_9 = arith.constant 1 : index
    %get3A_10 = arith.constant 0 : index
    %get3A_11 = arith.constant 0 : index
    %get3A_12 = vector.load %arg1[%get3A_9, %get3A_10, %get3A_11] : memref<2x2000x32xf32, #tpu.memory_space<vmem>>, vector<1x2000x32xf32>
    %get3A_13 = vector.shape_cast %get3A_12 : vector<1x2000x32xf32> to vector<2000x32xf32>
    %get3A_14 = arith.constant 1 : index
    %get3A_15 = arith.constant 0 : index
    %get3A_16 = arith.constant 0 : index
    %get3A_17 = vector.load %arg2[%get3A_14, %get3A_15, %get3A_16] : memref<2x2000x32xf32, #tpu.memory_space<vmem>>, vector<1x2000x32xf32>
    %get3A_18 = vector.shape_cast %get3A_17 : vector<1x2000x32xf32> to vector<2000x32xf32>
    %add3A_19 = arith.addf %get3A_13, %get3A_18 : vector<2000x32xf32>
    %concatenate3A = tpu.concatenate %add3A, %add3A_19 in 1 : vector<2000x32xf32>, vector<2000x32xf32> -> vector<2000x64xf32>
    %get3A_20 = arith.constant 0 : index
    %get3A_21 = arith.constant 0 : index
    %get3A_22 = vector.load %arg3[%get3A_20, %get3A_21] : memref<2000x1xf32, #tpu.memory_space<vmem>>, vector<2000x1xf32>
    %mul3A = vector.broadcast %get3A_22 : vector<2000x1xf32> to vector<2000x64xf32>
    %mul3A_23 = arith.mulf %concatenate3A, %mul3A : vector<2000x64xf32>
    %get3A_24 = arith.constant 0 : index
    %get3A_25 = arith.constant 0 : index
    %get3A_26 = vector.load %arg4[%get3A_24, %get3A_25] : memref<1x64xf32, #tpu.memory_space<vmem>>, vector<1x64xf32>
    %add3A_27 = vector.broadcast %get3A_26 : vector<1x64xf32> to vector<2000x64xf32>
    %add3A_28 = arith.addf %mul3A_23, %add3A_27 : vector<2000x64xf32>
    %max3A = arith.constant 0.000000e+00 : f32
    %max3A_29 = vector.broadcast %max3A : f32 to vector<2000x64xf32>
    %max3A_30 = arith.maximumf %add3A_28, %max3A_29 : vector<2000x64xf32>
    %get3A_31 = arith.constant 0 : index
    %get3A_32 = arith.constant 0 : index
    %get3A_33 = vector.load %arg5[%get3A_31, %get3A_32] : memref<64x32xf32, #tpu.memory_space<vmem>>, vector<64x32xf32>
    %dot_general3A = arith.constant dense<0.000000e+00> : vector<2000x32xf32>
    %dot_general3A_34 = tpu.matmul %max3A_30, %get3A_33, %dot_general3A {dimension_numbers = #tpu.dot_dimension_numbers<[1], [0], [0], [1], [0, 0, 1, 1], [], []>, transpose_lhs_hint = false} : vector<2000x64xf32>, vector<64x32xf32>, vector<2000x32xf32> -> vector<2000x32xf32>
    %get3A_35 = arith.constant 0 : index
    %get3A_36 = arith.constant 0 : index
    %get3A_37 = vector.load %arg3[%get3A_35, %get3A_36] : memref<2000x1xf32, #tpu.memory_space<vmem>>, vector<2000x1xf32>
    %mul3A_38 = vector.broadcast %get3A_37 : vector<2000x1xf32> to vector<2000x32xf32>
    %mul3A_39 = arith.mulf %dot_general3A_34, %mul3A_38 : vector<2000x32xf32>
    %swap3A = arith.constant 0 : index
    %swap3A_40 = arith.constant 0 : index
    %swap3A_41 = vector.load %arg6[%swap3A, %swap3A_40] : memref<2000x32xf32, #tpu.memory_space<vmem>>, vector<2000x32xf32>
    tpu.vector_store %arg6[%swap3A, %swap3A_40], %mul3A_39 {strides = array<i32>} : memref<2000x32xf32, #tpu.memory_space<vmem>>, vector<2000x32xf32>,
    return
  }
  func.func @transform_0(%arg0: i32) -> (i32, i32, i32) {
    %c0_i32 = arith.constant 0 : i32
    %c0_i32_0 = arith.constant 0 : i32
    %c0_i32_1 = arith.constant 0 : i32
    return %c0_i32, %arg0, %c0_i32_0 : i32, i32, i32
  }
  func.func @transform_1(%arg0: i32) -> (i32, i32, i32) {
    %c0_i32 = arith.constant 0 : i32
    %c0_i32_0 = arith.constant 0 : i32
    %c0_i32_1 = arith.constant 0 : i32
    return %c0_i32, %arg0, %c0_i32_0 : i32, i32, i32
  }
  func.func @transform_2(%arg0: i32) -> (i32, i32) {
    %c0_i32 = arith.constant 0 : i32
    %c0_i32_0 = arith.constant 0 : i32
    return %arg0, %c0_i32 : i32, i32
  }
  func.func @transform_3(%arg0: i32) -> (i32, i32) {
    %c0_i32 = arith.constant 0 : i32
    %c0_i32_0 = arith.constant 0 : i32
    %c0_i32_1 = arith.constant 0 : i32
    return %c0_i32, %c0_i32_0 : i32, i32
  }
  func.func @transform_4(%arg0: i32) -> (i32, i32) {
    %c0_i32 = arith.constant 0 : i32
    %c0_i32_0 = arith.constant 0 : i32
    %c0_i32_1 = arith.constant 0 : i32
    return %c0_i32, %c0_i32_0 : i32, i32
  }
  func.func @transform_5(%arg0: i32) -> (i32, i32) {
    %c0_i32 = arith.constant 0 : i32
    %c0_i32_0 = arith.constant 0 : i32
    return %arg0, %c0_i32 : i32, i32
  }
}

module attributes {stable_mosaic.version = 14 : i64} {
  func.func @_tc_final(%arg0: i32, %arg1: memref<2x2000x32xf32, #tpu.memory_space<vmem>>, %arg2: memref<2000x32xf32, #tpu.memory_space<vmem>>, %arg3: memref<2000x1xf32, #tpu.memory_space<vmem>>, %arg4: memref<1x32xf32, #tpu.memory_space<vmem>>, %arg5: memref<2000x32xf32, #tpu.memory_space<vmem>>) attributes {dimension_semantics = [#tpu.dimension_semantics<arbitrary>], iteration_bounds = array<i64: 5>, scalar_prefetch = 0 : i64, scratch_operands = 0 : i64, tpu.core_type = #tpu.core_type<tc>, window_params = [{transform_indices = @transform_0, window_bounds = array<i64: 2, 2000, 32>}, {transform_indices = @transform_1, window_bounds = array<i64: 2000, 32>}, {transform_indices = @transform_2, window_bounds = array<i64: 2000, 1>}, {pipeline_mode = #tpu.pipeline_mode<synchronous>, transform_indices = @transform_3, window_bounds = array<i64: 1, 32>}, {transform_indices = @transform_4, window_bounds = array<i64: 2000, 32>}]} {
    %get3A = arith.constant 0 : index
    %get3A_0 = arith.constant 0 : index
    %get3A_1 = arith.constant 0 : index
    %get3A_2 = vector.load %arg1[%get3A, %get3A_0, %get3A_1] : memref<2x2000x32xf32, #tpu.memory_space<vmem>>, vector<1x2000x32xf32>
    %get3A_3 = vector.shape_cast %get3A_2 : vector<1x2000x32xf32> to vector<2000x32xf32>
    %get3A_4 = arith.constant 1 : index
    %get3A_5 = arith.constant 0 : index
    %get3A_6 = arith.constant 0 : index
    %get3A_7 = vector.load %arg1[%get3A_4, %get3A_5, %get3A_6] : memref<2x2000x32xf32, #tpu.memory_space<vmem>>, vector<1x2000x32xf32>
    %get3A_8 = vector.shape_cast %get3A_7 : vector<1x2000x32xf32> to vector<2000x32xf32>
    %add3A = arith.addf %get3A_3, %get3A_8 : vector<2000x32xf32>
    %get3A_9 = arith.constant 0 : index
    %get3A_10 = arith.constant 0 : index
    %get3A_11 = vector.load %arg2[%get3A_9, %get3A_10] : memref<2000x32xf32, #tpu.memory_space<vmem>>, vector<2000x32xf32>
    %add3A_12 = arith.addf %add3A, %get3A_11 : vector<2000x32xf32>
    %get3A_13 = arith.constant 0 : index
    %get3A_14 = arith.constant 0 : index
    %get3A_15 = vector.load %arg3[%get3A_13, %get3A_14] : memref<2000x1xf32, #tpu.memory_space<vmem>>, vector<2000x1xf32>
    %mul3A = vector.broadcast %get3A_15 : vector<2000x1xf32> to vector<2000x32xf32>
    %mul3A_16 = arith.mulf %add3A_12, %mul3A : vector<2000x32xf32>
    %get3A_17 = arith.constant 0 : index
    %get3A_18 = arith.constant 0 : index
    %get3A_19 = vector.load %arg4[%get3A_17, %get3A_18] : memref<1x32xf32, #tpu.memory_space<vmem>>, vector<1x32xf32>
    %add3A_20 = vector.broadcast %get3A_19 : vector<1x32xf32> to vector<2000x32xf32>
    %add3A_21 = arith.addf %mul3A_16, %add3A_20 : vector<2000x32xf32>
    %swap3A = arith.constant 0 : index
    %swap3A_22 = arith.constant 0 : index
    %swap3A_23 = vector.load %arg5[%swap3A, %swap3A_22] : memref<2000x32xf32, #tpu.memory_space<vmem>>, vector<2000x32xf32>
    tpu.vector_store %arg5[%swap3A, %swap3A_22], %add3A_21 {strides = array<i32>} : memref<2000x32xf32, #tpu.memory_space<vmem>>, vector<2000x32xf32>,
    return
  }
  func.func @transform_0(%arg0: i32) -> (i32, i32, i32) {
    %c0_i32 = arith.constant 0 : i32
    %c0_i32_0 = arith.constant 0 : i32
    %c0_i32_1 = arith.constant 0 : i32
    return %c0_i32, %arg0, %c0_i32_0 : i32, i32, i32
  }
  func.func @transform_1(%arg0: i32) -> (i32, i32) {
    %c0_i32 = arith.constant 0 : i32
    %c0_i32_0 = arith.constant 0 : i32
    return %arg0, %c0_i32 : i32, i32
  }
  func.func @transform_2(%arg0: i32) -> (i32, i32) {
    %c0_i32 = arith.constant 0 : i32
    %c0_i32_0 = arith.constant 0 : i32
    return %arg0, %c0_i32 : i32, i32
  }
  func.func @transform_3(%arg0: i32) -> (i32, i32) {
    %c0_i32 = arith.constant 0 : i32
    %c0_i32_0 = arith.constant 0 : i32
    %c0_i32_1 = arith.constant 0 : i32
    return %c0_i32, %c0_i32_0 : i32, i32
  }
  func.func @transform_4(%arg0: i32) -> (i32, i32) {
    %c0_i32 = arith.constant 0 : i32
    %c0_i32_0 = arith.constant 0 : i32
    return %arg0, %c0_i32 : i32, i32
  }
}

</mosaic_0001>

<sc_bundles>
// kernel: kernel.12.cloned.1.call-start
scs
__scs_entry_jumppad:
0x0: {  	(pc) =	sbr.rel $0x88, $3  }
0x1: {  	(tag) =	ssettag $0x0;
	lr =	simm.s32 $0x1  }
0x2: {  	[smem:$0x3F9B] =	sst lr;
	_ =	strace $0xD0000000  }
0x3: {  	_ = 	snop  }
0x4: {  	_ = 	snop  }
0x5: {  	_ = 	snop  }
0x6: {  	_ = 	snop  }
0x7: {  	_ = 	snop  }
__scs_overlays_trampoline_lowered:
0x8: {  	[smem:$0x3FAA] =	sst s0  }
0x9: {  	[smem:$0x3FAB] =	sst s1  }
0xa: {  	[smem:$0x3FAC] =	sst s2  }
0xb: {  	[smem:$0x3FAD] =	sst s3  }
0xc: {  	[smem:$0x3FAE] =	sst s4  }
0xd: {  	[smem:$0x3FAF] =	sst s5  }
0xe: {  	[smem:$0x3FB0] =	sst s6  }
0xf: {  	[smem:$0x3FB1] =	sst s7  }
0x10: {  	[smem:$0x3FB2] =	sst s8  }
0x11: {  	[smem:$0x3FB3] =	sst s9;
	s0 =	simm.s32 @!p0 $0x0  }
0x12: {  	s1 =	sld [smem:$0x3F99];
	s0 =	simm.s32 @p0 $0x1  }
0x13: {  	[smem:$0x3FB4] =	sst s0;
	s0 =	simm.s32 @!p1 $0x0  }
0x14: {  	s2 =	sld [smem:$0x3F98];
	s0 =	simm.s32 @p1 $0x1  }
0x15: {  	[smem:$0x3FB5] =	sst s0;
	s0 =	simm.s32 @!p2 $0x0  }
0x16: {  	s3 =	sld [smem:$0x3FDB];
	s0 =	simm.s32 @p2 $0x1  }
0x17: {  	s4 =	simm.s32 $0x1BF5;
	[smem:$0x3FB7] =	sst s0  }
0x18: {  	s0 =	sld [smem:$0x3F9A];
	_ =	swait.ge [sflag:s4], $0x0  }
0x19: {  	s7 =	sld [smem:$0x3F9B]  }
0x1a: {  	s8 =	sadd.s32 $0xFFFFE003, lr  }
0x1b: {  	s9 =	sadd.s32 $0xFFFFFEF7, lr;
	s5 =	simm.s32 $0xFFFFFFFF;
	p2 =	slt.u32 s8, $0xFFFFF086  }
0x1c: {  	p1 =	slt.u32 s9, $0xF7A;
	s5 =	simm.s32 @!p2 $0x0  }
0x1d: {  	s5 =	simm.s32 @p1 $0x1;
	p0 =	seq.s32 s7, s2  }
0x1e: {  	s7 =	smul.u32 @!p0 $0xF7A, s2;
	p2 =	seq.s32 @!p0 s5, $0x0  }
0x1f: {  	s9 =	smul.u32 $0xF7A, s1;
	s8 =	simm.s32 @!p0 $0x1BF5;
	p2 =	por !p2, p0  }
0x20: {  	[sflag:s8] =	ssyncset.s32 @!p0 $0xFFFFF086;
	s6 =	sadd.s32 @!p0 s3, s7;
	s7 =	simm.s32 @!p0 $0x108  }
0x21: {  	s3 =	sadd.s32 s3, s9;
	s6 =	sadd.s32 @!p0 $0x88, s6;
	s7 =	simm.s32 @p2 $0x1082  }
0x22: {  	[simem:s7], [sflag:s8] =	dma.local @!p0 [hbm:s6], $0xF7A  }
0x23: {  	s9 =	sor.u32 $0xD0000000, s2;
	s6 =	simm.s32 $0x108;
	_ =	swait.ge @!p0 [sflag:s8], $0x0  }
0x24: {  	s3 =	sadd.s32 $0x88, s3;
	s6 =	simm.s32 @!p1 $0x1082;
	[sflag:s4] =	ssyncset.s32 $0xFFFFF086  }
0x25: {  	[simem:s6], [sflag:s4] =	dma.local [hbm:s3], $0xF7A  }
0x26: {  	[smem:$0x3F9B] =	sst s1;
	(tag) =	ssettag s2;
	_ =	strace s9  }
0x27: {  	s1 =	sld [smem:$0x3FAB]  }
0x28: {  	s2 =	sld [smem:$0x3FAC]  }
0x29: {  	s4 =	sld [smem:$0x3FAE]  }
0x2a: {  	p0 =	seq.s32 s5, $0x0;
	s5 =	sld [smem:$0x3FAF]  }
0x2b: {  	s6 =	sld [smem:$0x3FB0]  }
0x2c: {  	s7 =	sld [smem:$0x3FB1]  }
0x2d: {  	s3 =	simm.s32 $0x108;
	s8 =	sld [smem:$0x3FB2]  }
0x2e: {  	s3 =	simm.s32 @!p0 $0x1082;
	s9 =	sld [smem:$0x3FB3]  }
0x2f: {  	lr =	sadd.s32 s0, s3;
	s0 =	sld [smem:$0x3FAA]  }
0x30: {  	s3 =	sld [smem:$0x3FAD]  }
0x31: {  	[smem:$0x3FB6] =	sst s10  }
0x32: {  	s10 =	sld [smem:$0x3FB4];
	_ =	sdelay $0x3  }
0x33: {  	p0 =	seq.s32 s10, $0x1;
	s10 =	sld [smem:$0x3FB6];
	_ =	sdelay $0x3  }
0x34: {  	[smem:$0x3FB6] =	sst s10  }
0x35: {  	s10 =	sld [smem:$0x3FB5];
	_ =	sdelay $0x3  }
0x36: {  	p1 =	seq.s32 s10, $0x1;
	s10 =	sld [smem:$0x3FB6];
	_ =	sdelay $0x3  }
0x37: {  	[smem:$0x3FB6] =	sst s10  }
0x38: {  	s10 =	sld [smem:$0x3FB7]  }
0x39: {  	_ = 	snop;
	(pc) =	sbr.ind lr, $3  }
0x3a: {  	_ = 	snop  }
0x3b: {  	_ = 	snop  }
0x3c: {  	p2 =	seq.s32 s10, $0x1;
	s10 =	sld [smem:$0x3FB6]  }
0x3d: {  	_ =	shalt  }
0x3e: {  	_ =	shalt  }
0x3f: {  	_ =	shalt  }
0x40: {  	_ =	shalt  }
0x41: {  	_ =	shalt  }
0x42: {  	_ =	shalt  }
0x43: {  	_ =	shalt  }
0x44: {  	_ =	shalt  }
0x45: {  	_ =	shalt  }
0x46: {  	_ =	shalt  }
0x47: {  	_ =	shalt  }
0x48: {  	_ =	shalt  }
0x49: {  	_ =	shalt  }
0x4a: {  	_ =	shalt  }
0x4b: {  	_ =	shalt  }
0x4c: {  	_ =	shalt  }
0x4d: {  	_ =	shalt  }
0x4e: {  	_ =	shalt  }
0x4f: {  	_ =	shalt  }
0x50: {  	_ =	shalt  }
0x51: {  	_ =	shalt  }
0x52: {  	_ =	shalt  }
0x53: {  	_ =	shalt  }
0x54: {  	_ =	shalt  }
0x55: {  	_ =	shalt  }
0x56: {  	_ =	shalt  }
0x57: {  	_ =	shalt  }
0x58: {  	_ =	shalt  }
0x59: {  	_ =	shalt  }
0x5a: {  	_ =	shalt  }
0x5b: {  	_ =	shalt  }
0x5c: {  	_ =	shalt  }
0x5d: {  	_ =	shalt  }
0x5e: {  	_ =	shalt  }
0x5f: {  	_ =	shalt  }
0x60: {  	_ =	shalt  }
0x61: {  	_ =	shalt  }
0x62: {  	_ =	shalt  }
0x63: {  	_ =	shalt  }
0x64: {  	_ =	shalt  }
0x65: {  	_ =	shalt  }
0x66: {  	_ =	shalt  }
0x67: {  	_ =	shalt  }
0x68: {  	_ =	shalt  }
0x69: {  	_ =	shalt  }
0x6a: {  	_ =	shalt  }
0x6b: {  	_ =	shalt  }
0x6c: {  	_ =	shalt  }
0x6d: {  	_ =	shalt  }
0x6e: {  	_ =	shalt  }
0x6f: {  	_ =	shalt  }
0x70: {  	_ =	shalt  }
0x71: {  	_ =	shalt  }
0x72: {  	_ =	shalt  }
0x73: {  	_ =	shalt  }
0x74: {  	_ =	shalt  }
0x75: {  	_ =	shalt  }
0x76: {  	_ =	shalt  }
0x77: {  	_ =	shalt  }
0x78: {  	_ =	shalt  }
0x79: {  	_ =	shalt  }
0x7a: {  	_ =	shalt  }
0x7b: {  	_ =	shalt  }
0x7c: {  	_ =	shalt  }
0x7d: {  	_ =	shalt  }
0x7e: {  	_ =	shalt  }
0x7f: {  	_ =	shalt  }
0x80: {  	_ =	shalt  }
0x81: {  	_ =	shalt  }
0x82: {  	_ =	shalt  }
0x83: {  	_ =	shalt  }
0x84: {  	_ =	shalt  }
0x85: {  	_ =	shalt  }
0x86: {  	_ =	shalt  }
0x87: {  	_ =	shalt  }
.Lfunc_end0:
.L_simem_size_0:
called_computation.1_lowered:
.L_overlay_start_0:
0x88: {  	s2 =	sld [smem:$0x3FD9]  }
0x89: {  	s3 =	sld [smem:$0x3FFE];
	_ =	sdelay $0x1  }
0x8a: {  	s1 =	srdreg.scid  }
0x8b: {  	s0 =	sand.u32 $0x1, s1  }
0x8c: {  	s17 =	sshll.u32 s0, $0xA;
	s2 =	sadd.s32 s3, s2  }
0x8d: {  	s2 =	sadd.s32 s2, s17  }
0x8e: {  	[smem:$0x3FC2] =	sst s2  }
0x8f: {  	_ = 	snop  }
0x90: {  	s2 =	sld [smem:$0x3FD0];
	(tm) =	ssettm $0x1  }
0x91: {  	s18 =	sld [smem:$0x3FFB];
	_ =	sdelay $0x3  }
0x92: {  	_ =	strace s18  }
0x93: {  	s3 =	sld [smem:$0x3FFC];
	_ =	sdelay $0x3  }
0x94: {  	_ =	strace s3  }
0x95: {  	s3 =	sld [smem:$0x3FFD];
	_ =	sdelay $0x3  }
0x96: {  	_ =	strace s3  }
0x97: {  	_ =	strace $0x8FFFFFFF  }
0x98: {  	s19 =	sld [smem:$0x3FDB];
	_ =	sdelay $0x1  }
0x99: {  	s4 =	simm.s32 $_scs_section_size  }
0x9a: {  	s5 =	simm.s32 $_size__tile_overlayer_lowered;
	s6 =	simm.s32 $_tile_overlayer_lowered  }
0x9b: {  	s22 =	simm.s32 $0x1BFF;
	s21 =	sshll.u32 s6, $0x1;
	s3 =	sadd.s32 s4, s19  }
0x9c: {  	s7 =	simm.s32 $0x0;
	s20 =	sshll.u32 s5, $0x1;
	s5 =	sadd.s32 s21, s3  }
0x9d: {  	[timem:s7], [sflag:s22] =	dma.local [hbm:s5], s20  }
0x9e: {  	_ =	swait.ge [sflag:s22], s20  }
0x9f: {  	s4 =	ssub.s32 $0x0, s20;
	[sflag:s22] =	ssyncset.done $0x0  }
0xa0: {  	[sflag:s22] =	ssyncadd.s32 s4;
	_ =	sdelay $0x1  }
0xa1: {  	s23 =	simm.s32 $0x1B8B  }
0xa2: {  	_ =	swait.ge [sflag:s23], $0x1  }
0xa3: {  	[sflag:s23] =	ssyncset.done $0x0  }
0xa4: {  	s25 =	simm.s32 $0x1B8E;
	s24 =	sld [smem:$0x3FFE];
	[sflag:s23] =	ssyncadd.s32 $0xFFFFFFFF  }
0xa5: {  	s26 =	simm.s32 $execute0_lowered;
	[smem:$0x3FD2] =	sst s25  }
0xa6: {  	s5 =	sshll.u32 s26, $0x1;
	_ =	strace $0x80000049;
	[dreg:$0x1] =	wrdreg $0xFFFFFFFF  }
0xa7: {  	s28 =	simm.s32 $_size_execute0_lowered;
	s3 =	sadd.s32 s3, s5;
	[dreg:$0x0] =	wrdreg $0x0  }
0xa8: {  	s5 =	sshll.u32 s28, $0x1;
	[dreg:$0x2] =	wrdreg s3  }
0xa9: {  	[dreg:$0x3] =	wrdreg s5  }
0xaa: {  	[dreg:$0x4] =	wrdreg $0xC0  }
0xab: {  	_ =	task [dreg:s7], $0x5FFFF  }
0xac: {  	[dreg:$0x1] =	wrdreg $0xFFFFFFFF  }
0xad: {  	[dreg:$0x0] =	wrdreg $0x60  }
0xae: {  	[dreg:$0x2] =	wrdreg s24  }
0xaf: {  	[dreg:$0x3] =	wrdreg s2  }
0xb0: {  	[dreg:$0x4] =	wrdreg $0x1AE000  }
0xb1: {  	[dreg:$0x5] =	wrdreg $0x15E000  }
0xb2: {  	[dreg:$0x6] =	wrdreg $0x9  }
0xb3: {  	_ =	task.clear_ibuf [dreg:s7], $0x7FFFF;
	_ =	strace $0x90000049  }
0xb4: {  	s29 =	simm.s32 $0x9;
	_ =	strace $0x8000004B  }
0xb5: {  	_ =	swait.ge [sflag:s29], $0x1  }
0xb6: {  	[sflag:s29] =	ssyncadd.s32 $0xFFFFFFFF  }
0xb7: {  	_ =	strace $0x9000004B  }
0xb8: {  	_ =	sfence  }
0xb9: {  	s30 =	sld [smem:$0x0];
	_ =	sdelay $0x2  }
0xba: {  	s31 =	sshll.u32 s1, $0xD;
	s1 =	sshrl.u32 s1, $0x2  }
0xbb: {  	s3 =	sand.u32 $0x4000, s31;
	s1 =	sadd.s32 s1, s30  }
0xbc: {  	s0 =	sor.u32 s3, s0;
	s1 =	sshll.u32 s1, $0x11  }
0xbd: {  	s0 =	sor.u32 s1, s0  }
0xbe: {  	s0 =	sadd.s32 $0x8F2B, s0  }
0xbf: {  	[sflag:s0] =	ssyncadd.remote.s32 $0x1  }
0xc0: {  	_ =	sfence.sel $0xFFFF  }
0xc1: {  	[dreg:$0x0] =	wrdreg $0xFFFFFFFF;
	(pc) =	sbr.abs _section_cstart, $3  }
0xc2: {  	[dreg:$0x1] =	wrdreg $0xFFFFFFFF  }
0xc3: {  	_ =	task.clear_ibuf [dreg:s7], $0x2FFFF;
	_ =	strace $0x9FFFFFFF  }
0xc4: {  	(tm) =	ssettm $0x7FFFFFFF  }
0xc5: {  	_ =	shalt  }
tec
execute0_lowered:
.L_overlay_start_1:
0x0: {  	(tag) =	ssettag $0x1  }
0x1: {  	s0 =	rddreg [dreg:$0x0]  }
0x2: {  	s1 =	rddreg [dreg:$0x1];
	s17 =	stileid.u32  }
0x3: {  	s3 =	srdreg.scid;
	s7 =	smul.u32 $0x9E0, s17  }
0x4: {  	s2 =	rddreg [dreg:$0x2];
	s4 =	simm.s32 $0x0;
	s9 =	smul.u32 $0x5000, s17  }
0x5: {  	s14 =	simm.s32 $0x19;
	s19 =	simm.s32 $0x9E00;
	s11 =	smul.u32 $0x4E20, s17  }
0x6: {  	s20 =	simm.s32 $0x80;
	s5 =	sand.u32 $0x1, s3;
	s12 =	smul.u32 $0x14000, s17  }
0x7: {  	s28 =	simm.s32 $0x0;
	s3 =	rddreg [dreg:$0x3];
	s6 =	smul.u32 $0x9C40, s5  }
0x8: {  	[smem:$0x7FF] =	sst s4;
	s17 =	sshll.u32 s17, $0x6;
	s8 =	smul.u32 $0x50000, s5  }
0x9: {  	_ =	strace $0x8000004A;
	s5 =	ssub.s32 $0x2, s5;
	s17 =	sor.u32 $0x1C19, s17  }
0xa: {  	s25 =	sadd.s32 s7, s0;
	s26 =	sshrl.u32 s5, $0x1;
	s29 =	sadd.s32 s11, s2  }
0xb: {  	s30 =	sshrl.u32 s12, $0x2;
	s16 =	sshrl.u32 s11, $0x3;
	s31 =	sadd.s32 s9, s3  }
0xc: {  	s10 =	sadd.s32 s6, s0;
	s8 =	sadd.s32 s9, s8;
	s13 =	ssub.s32 s5, s26  }
0xd: {  	s5 =	sadd.s32 $0x9000, s25;
	s6 =	sadd.s32 s1, s7;
	s7 =	sadd.s32 s30, s3  }
0xe: {  	s18 =	sshrl.u32 s29, $0x3;
	s25 =	sshrl.u32 s31, $0x3;
	s8 =	sshrl.u32 s8, $0x3  }
0xf: {  	s15 =	sadd.s32 $0x12E00, s10;
	s9 =	smax.u32 s13, $0x1;
	s10 =	sadd.s32 $0x1000, s7  }
0x10: {  	s11 =	sadd.s32 $0x2000, s7;
	s12 =	sadd.s32 $0x3000, s7;
	s0 =	sadd.s32 s8, s0  }
0x11: {  	v0 =	vimm.f32 $0.0e+00;
	s13 =	sadd.s32 $0x4000, s7;
	s16 =	sadd.s32 s16, s15;
	s8 =	sadd.s32 $0x26800, s0  }
.LBB2_1:
0x12: {  	[tilespmem:s4], [sflag:$0x19] =	stream.linear.gather [hbm4b:s5+s4], $0x4F00, $0x38;
	[tilespmem:$0x1FC20] =	vst v63  }
0x13: {  	_ =	swait.ge [sflag:s14], $0x4F00  }
0x14: {  	[sflag:s14] =	ssyncset.done $0x0  }
0x15: {  	s0 =	simm.s32 $0x4F00;
	[sflag:s14] =	ssyncadd.s32 $0xFFFFB100  }
0x16: {  	[tilespmem:s0], [sflag:$0x19] =	stream.linear.gather [hbm4b:s6+s4], $0x4F00, $0x38;
	[tilespmem:$0x1FC20] =	vst v63  }
0x17: {  	_ =	swait.ge [sflag:s14], $0x4F00  }
0x18: {  	[sflag:s14] =	ssyncset.done $0x0  }
0x19: {  	s31 =	sand.u32 $0x3F80, s4;
	[sflag:s14] =	ssyncadd.s32 $0xFFFFB100  }
0x1a: {  	[spmem:s18], [sflag:s17] =	dma.local [hbm:s16], $0x9C4  }
0x1b: {  	s1 =	sand.u32 $0x10, s4;
	s15 =	sshrl.u32 s31, $0x2;
	_ =	swait.ge [sflag:s14], $0x9C4  }
0x1c: {  	s15 =	sor.u32 s1, s15;
	[sflag:s14] =	ssyncset.done $0x0  }
0x1d: {  	s1 =	simm.s32 $0x0;
	s0 =	simm.s32 $0x40;
	[sflag:s14] =	ssyncadd.s32 $0xFFFFF63C  }
.LBB2_2:
0x1e: {  	p0 =	sne.s32 s0, $0x3FC0  }
0x1f: {  	[tilespmem:s15+$0x9E00] =	vst v0;
	s1 =	sadd.s32 $0x10, s1;
	s15 =	smov.u32 s0;
	s0 =	sadd.s32 $0x40, s0  }
.Ltmp0:
0x20: {  	(pc) =	sbr.rel @p0 .LBB2_2-.Ltmp0, $4  }
0x21: {  	_ = 	snop  }
0x22: {  	s15 =	sand.u32 $0x3F80, s15  }
0x23: {  	s21 =	sand.u32 $0x10, s1;
	s15 =	sshrl.u32 s15, $0x2  }
0x24: {  	s15 =	sor.u32 s21, s15  }
0x25: {  	[tilespmem:s15+$0x9E00] =	vst v0  }
0x26: {  	[spmem:s7] =	stream.linear.scatter [tilespmem:s19], [sflag:$0x19], $0x1000, $0x38;
	[tilespmem:$0x1FC20] =	vst v63  }
0x27: {  	_ =	swait.ge [sflag:s14], $0x1000  }
0x28: {  	[sflag:s14] =	ssyncset.done $0x0  }
0x29: {  	[sflag:s14] =	ssyncadd.s32 $0xFFFFF000  }
0x2a: {  	[spmem:s10] =	stream.linear.scatter [tilespmem:s19], [sflag:$0x19], $0x1000, $0x38;
	[tilespmem:$0x1FC20] =	vst v63  }
0x2b: {  	_ =	swait.ge [sflag:s14], $0x1000  }
0x2c: {  	[sflag:s14] =	ssyncset.done $0x0  }
0x2d: {  	[sflag:s14] =	ssyncadd.s32 $0xFFFFF000  }
0x2e: {  	[spmem:s11] =	stream.linear.scatter [tilespmem:s19], [sflag:$0x19], $0x1000, $0x38;
	[tilespmem:$0x1FC20] =	vst v63  }
0x2f: {  	_ =	swait.ge [sflag:s14], $0x1000  }
0x30: {  	[sflag:s14] =	ssyncset.done $0x0  }
0x31: {  	[sflag:s14] =	ssyncadd.s32 $0xFFFFF000  }
0x32: {  	[spmem:s12] =	stream.linear.scatter [tilespmem:s19], [sflag:$0x19], $0x1000, $0x38;
	[tilespmem:$0x1FC20] =	vst v63  }
0x33: {  	_ =	swait.ge [sflag:s14], $0x1000  }
0x34: {  	[sflag:s14] =	ssyncset.done $0x0  }
0x35: {  	[sflag:s14] =	ssyncadd.s32 $0xFFFFF000  }
0x36: {  	[spmem:s13] =	stream.linear.scatter [tilespmem:s19], [sflag:$0x19], $0x1000, $0x38;
	[tilespmem:$0x1FC20] =	vst v63  }
0x37: {  	_ =	swait.ge [sflag:s14], $0x1000  }
0x38: {  	[sflag:s14] =	ssyncset.done $0x0  }
0x39: {  	s0 =	simm.s32 $0x0;
	[sflag:s14] =	ssyncadd.s32 $0xFFFFF000  }
0x3a: {  	s1 =	simm.s32 $0xAE00;
	s21 =	simm.s32 $0x100;
	[bflag:$0x0] =	sbarrier.arrive $0xFFFF  }
0x3b: {  	[tilespmem:s19], [sflag:$0x1] =	stream.indirect.gather [spmem:s2], $0x20, s0, s20, $0xb8;
	[tilespmem:$0x1FC20] =	vst v63  }
0x3c: {  	s22 =	simm.s32 $0xBE00;
	s23 =	simm.s32 $0x4;
	s0 =	smul.u32 $0xAB, s0  }
0x3d: {  	[tilespmem:s1], [sflag:$0x2] =	stream.indirect.gather [spmem:s2], $0x20, s20, s20, $0xb8;
	[tilespmem:$0x1FC20] =	vst v63  }
0x3e: {  	s24 =	simm.s32 $0x180;
	s1 =	sand.u32 $0xFF, s23;
	s0 =	sshrl.u32 s0, $0xB  }
0x3f: {  	s29 =	simm.s32 $0x4F00;
	s1 =	smul.u32 $0xAB, s1;
	s0 =	sand.u32 $0x1F, s0  }
0x40: {  	[tilespmem:s22], [sflag:$0x3] =	stream.indirect.gather [spmem:s2], $0x20, s21, s20, $0xb8;
	[tilespmem:$0x1FC20] =	vst v63  }
0x41: {  	s15 =	simm.s32 $0x200;
	s0 =	smul.u32 $0xC, s0;
	s1 =	sshrl.u32 s1, $0xB  }
0x42: {  	p0 =	por $0x0, $0x0;
	s21 =	simm.s32 $0xCE00;
	s1 =	smul.u32 $0xC, s1  }
0x43: {  	[tilespmem:s21], [sflag:$0x4] =	stream.indirect.gather [spmem:s2], $0x20, s24, s20, $0xb8;
	[tilespmem:$0x1FC20] =	vst v63  }
0x44: {  	s30 =	simm.s32 $0x1;
	p1 =	por @!p0 $0x1, $0x1;
	s1 =	ssub.s32 $0x4, s1  }
0x45: {  	p1 =	por p1, p0;
	s0 =	ssub.s32 $0x0, s0;
	s1 =	sand.u32 $0xFF, s1  }
0x46: {  	s31 =	simm.s32 $0x280;
	s0 =	sand.u32 $0xFF, s0;
	s21 =	sadd.s32 @!p1 $0xD, s1  }
0x47: {  	s23 =	simm.s32 @!p0 $0x80;
	s24 =	sadd.s32 $0x1, s0;
	_ =	swait.ge @!p1 [sflag:s21], $0x1000  }
0x48: {  	s26 =	sshll.u32 s0, $0xC;
	s22 =	sshll.u32 @!p0 s1, $0xC;
	[sflag:s21] =	ssyncset.done @!p1 $0x0  }
0x49: {  	s1 =	sadd.s32 @!p0 $0x1, s1;
	[sflag:s21] =	ssyncadd.s32 @!p1 $0xFFFFF000;
	s21 =	sadd.s32 @!p0 $0x9E00, s22  }
0x4a: {  	[tilespmem:s21], [sflag:s1] =	stream.indirect.gather @!p0 [spmem:s2], $0x20, s15, s23, $0xb8;
	[tilespmem:$0x1FC20] =	vst v63  }
0x4b: {  	s22 =	sadd.s32 $0x9E00, s26;
	s1 =	simm.s32 $0x2;
	_ =	swait.ge [sflag:s24], $0x1000  }
0x4c: {  	s15 =	simm.s32 $0x5;
	s21 =	sadd.s32 $0xD, s0;
	[sflag:s24] =	ssyncset.done $0x0  }
0x4d: {  	s0 =	simm.s32 $0x4F00;
	s23 =	sand.u32 $0xFF, s15;
	[sflag:s24] =	ssyncadd.s32 $0xFFFFF000  }
.LBB2_4:
0x4e: {  	s23 =	smul.u32 $0xAB, s23  }
0x4f: {  	s29 =	sadd.s32 $0x80, s29;
	s24 =	smov.u32 s1;
	s1 =	sadd.s32 $0x1, s1  }
0x50: {  	[spmem:s3] =	stream.indirect.scatter.add.f32 [tilespmem:s22], [sflag:s21], $0x20, s0, s20, $0xb8;
	[tilespmem:$0x1FC20] =	vst v63  }
0x51: {  	s21 =	smul.u32 $0xAB, s30;
	s0 =	sshrl.u32 s23, $0xB  }
0x52: {  	p0 =	sne.s32 s1, $0x9E;
	s22 =	smul.u32 $0xC, s0  }
0x53: {  	p1 =	sgt.u32 s30, $0x99;
	s0 =	smov.u32 s29;
	s21 =	sshrl.u32 s21, $0xB  }
0x54: {  	p2 =	slt.u32 @!p1 s30, $0x8;
	s21 =	sand.u32 $0x1F, s21;
	s15 =	ssub.s32 s15, s22  }
0x55: {  	p2 =	por p2, p1;
	s21 =	smul.u32 $0xC, s21;
	s15 =	sand.u32 $0xFF, s15  }
0x56: {  	s22 =	sadd.s32 @!p2 $0xD, s15  }
0x57: {  	s23 =	sshll.u32 @!p1 s15, $0xC;
	s15 =	sadd.s32 @!p1 $0x1, s15;
	s21 =	ssub.s32 s30, s21  }
0x58: {  	s30 =	smov.u32 s24;
	_ =	swait.ge @!p2 [sflag:s22], $0x1000;
	s21 =	sand.u32 $0xFF, s21  }
0x59: {  	s24 =	simm.s32 @!p1 $0x80;
	[sflag:s22] =	ssyncset.done @!p2 $0x0;
	s26 =	sadd.s32 $0x1, s21  }
.Ltmp1:
0x5a: {  	[sflag:s22] =	ssyncadd.s32 @!p2 $0xFFFFF000;
	s22 =	sadd.s32 @!p1 $0x9E00, s23;
	(pc) =	sbr.rel @p0 .LBB2_4-.Ltmp1, $4  }
0x5b: {  	[tilespmem:s22], [sflag:s15] =	stream.indirect.gather @!p1 [spmem:s2], $0x20, s31, s24, $0xb8;
	[tilespmem:$0x1FC20] =	vst v63  }
0x5c: {  	s22 =	sshll.u32 s21, $0xC;
	s31 =	sadd.s32 $0x80, s31;
	_ =	swait.ge [sflag:s26], $0x1000  }
0x5d: {  	s15 =	sadd.s32 $0x4, s30;
	s21 =	sadd.s32 $0xD, s21;
	[sflag:s26] =	ssyncset.done $0x0  }
0x5e: {  	s23 =	sand.u32 $0xFF, s15;
	s22 =	sadd.s32 $0x9E00, s22;
	[sflag:s26] =	ssyncadd.s32 $0xFFFFF000  }
0x5f: {  	s1 =	smul.u32 $0xAB, s23  }
0x60: {  	[spmem:s3] =	stream.indirect.scatter.add.f32 [tilespmem:s22], [sflag:s21], $0x20, s0, s20, $0xb8;
	[tilespmem:$0x1FC20] =	vst v63  }
0x61: {  	s22 =	smul.u32 $0xAB, s30;
	s21 =	sshrl.u32 s1, $0xB  }
0x62: {  	s0 =	smul.u32 $0xC, s21  }
0x63: {  	p0 =	sgt.u32 s30, $0x99;
	s1 =	sshrl.u32 s22, $0xB  }
0x64: {  	p1 =	slt.u32 @!p0 s30, $0x8;
	s1 =	sand.u32 $0x1F, s1;
	s0 =	ssub.s32 s15, s0  }
0x65: {  	p1 =	por p1, p0;
	s1 =	smul.u32 $0xC, s1;
	s0 =	sand.u32 $0xFF, s0  }
0x66: {  	s15 =	sadd.s32 @!p1 $0xD, s0  }
0x67: {  	s22 =	simm.s32 @!p0 $0x80;
	s1 =	ssub.s32 s30, s1;
	_ =	swait.ge @!p1 [sflag:s15], $0x1000  }
0x68: {  	s21 =	sshll.u32 @!p0 s0, $0xC;
	s0 =	sadd.s32 @!p0 $0x1, s0;
	[sflag:s15] =	ssyncset.done @!p1 $0x0  }
0x69: {  	s1 =	sand.u32 $0xFF, s1;
	[sflag:s15] =	ssyncadd.s32 @!p1 $0xFFFFF000;
	s15 =	sadd.s32 @!p0 $0x9E00, s21  }
0x6a: {  	[tilespmem:s15], [sflag:s0] =	stream.indirect.gather @!p0 [spmem:s2], $0x20, s31, s22, $0xb8;
	[tilespmem:$0x1FC20] =	vst v63  }
0x6b: {  	s23 =	sadd.s32 $0x1, s1;
	s0 =	simm.s32 $0x92  }
0x6c: {  	s24 =	sadd.s32 $0x80, s29;
	_ =	swait.ge [sflag:s23], $0x1000;
	s29 =	smul.u32 $0xAB, s0  }
0x6d: {  	s26 =	sshll.u32 s1, $0xC;
	s1 =	sadd.s32 $0xD, s1;
	[sflag:s23] =	ssyncset.done $0x0  }
0x6e: {  	s22 =	sadd.s32 $0x9E00, s26;
	[sflag:s23] =	ssyncadd.s32 $0xFFFFF000;
	s30 =	sshrl.u32 s29, $0xB  }
0x6f: {  	[spmem:s3] =	stream.indirect.scatter.add.f32 [tilespmem:s22], [sflag:s1], $0x20, s24, s20, $0xb8;
	[tilespmem:$0x1FC20] =	vst v63  }
0x70: {  	s31 =	sand.u32 $0x1F, s30  }
0x71: {  	s1 =	simm.s32 $0x93;
	s15 =	smul.u32 $0xC, s31  }
.LBB2_6:
0x72: {  	s21 =	smul.u32 $0xAB, s1  }
0x73: {  	s15 =	ssub.s32 s0, s15;
	s0 =	smov.u32 s1;
	p0 =	sne.s32 s1, $0x9D  }
.Ltmp2:
0x74: {  	s1 =	sadd.s32 $0x1, s1;
	s15 =	sand.u32 $0xFF, s15;
	(pc) =	sbr.rel @p0 .LBB2_6-.Ltmp2, $4  }
0x75: {  	s21 =	sshrl.u32 s21, $0xB;
	s22 =	sadd.s32 $0xD, s15  }
0x76: {  	s15 =	sand.u32 $0x1F, s21;
	_ =	swait.ge [sflag:s22], $0x1000  }
0x77: {  	s15 =	smul.u32 $0xC, s15;
	[sflag:s22] =	ssyncset.done $0x0  }
0x78: {  	[sflag:s22] =	ssyncadd.s32 $0xFFFFF000  }
0x79: {  	s0 =	ssub.s32 s0, s15  }
0x7a: {  	s0 =	sand.u32 $0xFF, s0  }
0x7b: {  	s0 =	sadd.s32 $0xD, s0  }
0x7c: {  	_ =	swait.ge [sflag:s0], $0x1000  }
0x7d: {  	s28 =	sadd.s32 $0x1, s28;
	[sflag:s0] =	ssyncset.done $0x0  }
0x7e: {  	p0 =	sne.s32 s28, s9;
	[sflag:s0] =	ssyncadd.s32 $0xFFFFF000  }
.Ltmp3:
0x7f: {  	[bflag:$0x0] =	sbarrier.arrive $0xFFFF;
	(pc) =	sbr.rel @p0 .LBB2_1-.Ltmp3, $4  }
0x80: {  	[hbm:s8], [sflag:s17] =	dma.local [spmem:s25], $0xA00  }
0x81: {  	_ =	swait.ge [sflag:s14], $0xA00  }
0x82: {  	[sflag:s14] =	ssyncset.done $0x0  }
0x83: {  	[sflag:s14] =	ssyncadd.s32 $0xFFFFF600  }
0x84: {  	_ =	sfence.sel $0x180000  }
0x85: {  	[bflag:$0x0] =	sbarrier.arrive $0xFFFF  }
0x86: {  	_ =	strace $0x9000004A  }
0x87: {  	s0 =	stileid.u32;
	[bflag:$0x2] =	sbarrier.arrive $0xFFFF  }
0x88: {  	p0 =	sne.s32 s0, $0x0;
	s0 =	rddreg [dreg:$0x4]  }
0x89: {  	s0 =	sadd.s32 @!p0 $0x100000, s0  }
0x8a: {  	[sflag:s0] =	ssyncadd.tile.s32 @!p0 $0x1;
	_ =	shalt  }
.Lfunc_end2:
_tile_overlayer_lowered:
.L_overlay_start_2:
0x8b: {  	(tag) =	ssettag $0x2  }
0x8c: {  	s0 =	rddreg [dreg:$0x0];
	s2 =	stileid.u32  }
0x8d: {  	s1 =	rddreg [dreg:$0x1];
	p0 =	sne.s32 s2, $0x0  }
0x8e: {  	s3 =	rddreg [dreg:$0x2];
	[bflag:$0x3] =	sbarrier.arrive $0xFFFF;
	s2 =	simm.s32 @!p0 $0x1C19  }
0x8f: {  	[timem:s3], [sflag:s2] =	dma.local @!p0 [hbm:s0], s1  }
0x90: {  	s0 =	simm.s32 @!p0 $0x19  }
0x91: {  	_ =	swait.ge @!p0 [sflag:s0], s1  }
0x92: {  	s1 =	ssub.s32 @!p0 $0x0, s1;
	[sflag:s0] =	ssyncset.done @!p0 $0x0  }
0x93: {  	[sflag:s0] =	ssyncadd.s32 @!p0 s1  }
0x94: {  	[bflag:$0x3] =	sbarrier.arrive $0xFFFF  }
0x95: {  	_ =	shalt  }

// kernel: kernel.15.cloned.1.call-start
scs
__scs_entry_jumppad:
0x0: {  	(pc) =	sbr.rel $0x88, $3  }
0x1: {  	(tag) =	ssettag $0x0;
	lr =	simm.s32 $0x1  }
0x2: {  	[smem:$0x3F9B] =	sst lr;
	_ =	strace $0xD0000000  }
0x3: {  	_ = 	snop  }
0x4: {  	_ = 	snop  }
0x5: {  	_ = 	snop  }
0x6: {  	_ = 	snop  }
0x7: {  	_ = 	snop  }
__scs_overlays_trampoline_lowered:
0x8: {  	[smem:$0x3FAA] =	sst s0  }
0x9: {  	[smem:$0x3FAB] =	sst s1  }
0xa: {  	[smem:$0x3FAC] =	sst s2  }
0xb: {  	[smem:$0x3FAD] =	sst s3  }
0xc: {  	[smem:$0x3FAE] =	sst s4  }
0xd: {  	[smem:$0x3FAF] =	sst s5  }
0xe: {  	[smem:$0x3FB0] =	sst s6  }
0xf: {  	[smem:$0x3FB1] =	sst s7  }
0x10: {  	[smem:$0x3FB2] =	sst s8  }
0x11: {  	[smem:$0x3FB3] =	sst s9;
	s0 =	simm.s32 @!p0 $0x0  }
0x12: {  	s1 =	sld [smem:$0x3F99];
	s0 =	simm.s32 @p0 $0x1  }
0x13: {  	[smem:$0x3FB4] =	sst s0;
	s0 =	simm.s32 @!p1 $0x0  }
0x14: {  	s2 =	sld [smem:$0x3F98];
	s0 =	simm.s32 @p1 $0x1  }
0x15: {  	[smem:$0x3FB5] =	sst s0;
	s0 =	simm.s32 @!p2 $0x0  }
0x16: {  	s3 =	sld [smem:$0x3FDB];
	s0 =	simm.s32 @p2 $0x1  }
0x17: {  	s4 =	simm.s32 $0x1BF5;
	[smem:$0x3FB7] =	sst s0  }
0x18: {  	s0 =	sld [smem:$0x3F9A];
	_ =	swait.ge [sflag:s4], $0x0  }
0x19: {  	s7 =	sld [smem:$0x3F9B]  }
0x1a: {  	s8 =	sadd.s32 $0xFFFFE003, lr  }
0x1b: {  	s9 =	sadd.s32 $0xFFFFFEF7, lr;
	s5 =	simm.s32 $0xFFFFFFFF;
	p2 =	slt.u32 s8, $0xFFFFF086  }
0x1c: {  	p1 =	slt.u32 s9, $0xF7A;
	s5 =	simm.s32 @!p2 $0x0  }
0x1d: {  	s5 =	simm.s32 @p1 $0x1;
	p0 =	seq.s32 s7, s2  }
0x1e: {  	s7 =	smul.u32 @!p0 $0xF7A, s2;
	p2 =	seq.s32 @!p0 s5, $0x0  }
0x1f: {  	s9 =	smul.u32 $0xF7A, s1;
	s8 =	simm.s32 @!p0 $0x1BF5;
	p2 =	por !p2, p0  }
0x20: {  	[sflag:s8] =	ssyncset.s32 @!p0 $0xFFFFF086;
	s6 =	sadd.s32 @!p0 s3, s7;
	s7 =	simm.s32 @!p0 $0x108  }
0x21: {  	s3 =	sadd.s32 s3, s9;
	s6 =	sadd.s32 @!p0 $0x88, s6;
	s7 =	simm.s32 @p2 $0x1082  }
0x22: {  	[simem:s7], [sflag:s8] =	dma.local @!p0 [hbm:s6], $0xF7A  }
0x23: {  	s9 =	sor.u32 $0xD0000000, s2;
	s6 =	simm.s32 $0x108;
	_ =	swait.ge @!p0 [sflag:s8], $0x0  }
0x24: {  	s3 =	sadd.s32 $0x88, s3;
	s6 =	simm.s32 @!p1 $0x1082;
	[sflag:s4] =	ssyncset.s32 $0xFFFFF086  }
0x25: {  	[simem:s6], [sflag:s4] =	dma.local [hbm:s3], $0xF7A  }
0x26: {  	[smem:$0x3F9B] =	sst s1;
	(tag) =	ssettag s2;
	_ =	strace s9  }
0x27: {  	s1 =	sld [smem:$0x3FAB]  }
0x28: {  	s2 =	sld [smem:$0x3FAC]  }
0x29: {  	s4 =	sld [smem:$0x3FAE]  }
0x2a: {  	p0 =	seq.s32 s5, $0x0;
	s5 =	sld [smem:$0x3FAF]  }
0x2b: {  	s6 =	sld [smem:$0x3FB0]  }
0x2c: {  	s7 =	sld [smem:$0x3FB1]  }
0x2d: {  	s3 =	simm.s32 $0x108;
	s8 =	sld [smem:$0x3FB2]  }
0x2e: {  	s3 =	simm.s32 @!p0 $0x1082;
	s9 =	sld [smem:$0x3FB3]  }
0x2f: {  	lr =	sadd.s32 s0, s3;
	s0 =	sld [smem:$0x3FAA]  }
0x30: {  	s3 =	sld [smem:$0x3FAD]  }
0x31: {  	[smem:$0x3FB6] =	sst s10  }
0x32: {  	s10 =	sld [smem:$0x3FB4];
	_ =	sdelay $0x3  }
0x33: {  	p0 =	seq.s32 s10, $0x1;
	s10 =	sld [smem:$0x3FB6];
	_ =	sdelay $0x3  }
0x34: {  	[smem:$0x3FB6] =	sst s10  }
0x35: {  	s10 =	sld [smem:$0x3FB5];
	_ =	sdelay $0x3  }
0x36: {  	p1 =	seq.s32 s10, $0x1;
	s10 =	sld [smem:$0x3FB6];
	_ =	sdelay $0x3  }
0x37: {  	[smem:$0x3FB6] =	sst s10  }
0x38: {  	s10 =	sld [smem:$0x3FB7]  }
0x39: {  	_ = 	snop;
	(pc) =	sbr.ind lr, $3  }
0x3a: {  	_ = 	snop  }
0x3b: {  	_ = 	snop  }
0x3c: {  	p2 =	seq.s32 s10, $0x1;
	s10 =	sld [smem:$0x3FB6]  }
0x3d: {  	_ =	shalt  }
0x3e: {  	_ =	shalt  }
0x3f: {  	_ =	shalt  }
0x40: {  	_ =	shalt  }
0x41: {  	_ =	shalt  }
0x42: {  	_ =	shalt  }
0x43: {  	_ =	shalt  }
0x44: {  	_ =	shalt  }
0x45: {  	_ =	shalt  }
0x46: {  	_ =	shalt  }
0x47: {  	_ =	shalt  }
0x48: {  	_ =	shalt  }
0x49: {  	_ =	shalt  }
0x4a: {  	_ =	shalt  }
0x4b: {  	_ =	shalt  }
0x4c: {  	_ =	shalt  }
0x4d: {  	_ =	shalt  }
0x4e: {  	_ =	shalt  }
0x4f: {  	_ =	shalt  }
0x50: {  	_ =	shalt  }
0x51: {  	_ =	shalt  }
0x52: {  	_ =	shalt  }
0x53: {  	_ =	shalt  }
0x54: {  	_ =	shalt  }
0x55: {  	_ =	shalt  }
0x56: {  	_ =	shalt  }
0x57: {  	_ =	shalt  }
0x58: {  	_ =	shalt  }
0x59: {  	_ =	shalt  }
0x5a: {  	_ =	shalt  }
0x5b: {  	_ =	shalt  }
0x5c: {  	_ =	shalt  }
0x5d: {  	_ =	shalt  }
0x5e: {  	_ =	shalt  }
0x5f: {  	_ =	shalt  }
0x60: {  	_ =	shalt  }
0x61: {  	_ =	shalt  }
0x62: {  	_ =	shalt  }
0x63: {  	_ =	shalt  }
0x64: {  	_ =	shalt  }
0x65: {  	_ =	shalt  }
0x66: {  	_ =	shalt  }
0x67: {  	_ =	shalt  }
0x68: {  	_ =	shalt  }
0x69: {  	_ =	shalt  }
0x6a: {  	_ =	shalt  }
0x6b: {  	_ =	shalt  }
0x6c: {  	_ =	shalt  }
0x6d: {  	_ =	shalt  }
0x6e: {  	_ =	shalt  }
0x6f: {  	_ =	shalt  }
0x70: {  	_ =	shalt  }
0x71: {  	_ =	shalt  }
0x72: {  	_ =	shalt  }
0x73: {  	_ =	shalt  }
0x74: {  	_ =	shalt  }
0x75: {  	_ =	shalt  }
0x76: {  	_ =	shalt  }
0x77: {  	_ =	shalt  }
0x78: {  	_ =	shalt  }
0x79: {  	_ =	shalt  }
0x7a: {  	_ =	shalt  }
0x7b: {  	_ =	shalt  }
0x7c: {  	_ =	shalt  }
0x7d: {  	_ =	shalt  }
0x7e: {  	_ =	shalt  }
0x7f: {  	_ =	shalt  }
0x80: {  	_ =	shalt  }
0x81: {  	_ =	shalt  }
0x82: {  	_ =	shalt  }
0x83: {  	_ =	shalt  }
0x84: {  	_ =	shalt  }
0x85: {  	_ =	shalt  }
0x86: {  	_ =	shalt  }
0x87: {  	_ =	shalt  }
.Lfunc_end0:
.L_simem_size_0:
called_computation.2_lowered:
.L_overlay_start_0:
0x88: {  	s2 =	sld [smem:$0x3FD9]  }
0x89: {  	s3 =	sld [smem:$0x3FFE];
	_ =	sdelay $0x1  }
0x8a: {  	s1 =	srdreg.scid  }
0x8b: {  	s0 =	sand.u32 $0x1, s1  }
0x8c: {  	s17 =	sshll.u32 s0, $0xA;
	s2 =	sadd.s32 s3, s2  }
0x8d: {  	s2 =	sadd.s32 s2, s17  }
0x8e: {  	[smem:$0x3FC2] =	sst s2  }
0x8f: {  	_ = 	snop  }
0x90: {  	s2 =	sld [smem:$0x3FD0];
	(tm) =	ssettm $0x1  }
0x91: {  	s18 =	sld [smem:$0x3FFB];
	_ =	sdelay $0x3  }
0x92: {  	_ =	strace s18  }
0x93: {  	s3 =	sld [smem:$0x3FFC];
	_ =	sdelay $0x3  }
0x94: {  	_ =	strace s3  }
0x95: {  	s3 =	sld [smem:$0x3FFD];
	_ =	sdelay $0x3  }
0x96: {  	_ =	strace s3  }
0x97: {  	_ =	strace $0x8FFFFFFF  }
0x98: {  	s19 =	sld [smem:$0x3FDB];
	_ =	sdelay $0x1  }
0x99: {  	s4 =	simm.s32 $_scs_section_size  }
0x9a: {  	s5 =	simm.s32 $_size__tile_overlayer_lowered;
	s6 =	simm.s32 $_tile_overlayer_lowered  }
0x9b: {  	s22 =	simm.s32 $0x1BFF;
	s21 =	sshll.u32 s6, $0x1;
	s3 =	sadd.s32 s4, s19  }
0x9c: {  	s7 =	simm.s32 $0x0;
	s20 =	sshll.u32 s5, $0x1;
	s5 =	sadd.s32 s21, s3  }
0x9d: {  	[timem:s7], [sflag:s22] =	dma.local [hbm:s5], s20  }
0x9e: {  	_ =	swait.ge [sflag:s22], s20  }
0x9f: {  	s4 =	ssub.s32 $0x0, s20;
	[sflag:s22] =	ssyncset.done $0x0  }
0xa0: {  	[sflag:s22] =	ssyncadd.s32 s4;
	_ =	sdelay $0x1  }
0xa1: {  	s23 =	simm.s32 $0x1B8B  }
0xa2: {  	_ =	swait.ge [sflag:s23], $0x1  }
0xa3: {  	[sflag:s23] =	ssyncset.done $0x0  }
0xa4: {  	s25 =	simm.s32 $0x1B8E;
	s24 =	sld [smem:$0x3FFE];
	[sflag:s23] =	ssyncadd.s32 $0xFFFFFFFF  }
0xa5: {  	s26 =	simm.s32 $execute0_lowered;
	[smem:$0x3FD2] =	sst s25  }
0xa6: {  	s5 =	sshll.u32 s26, $0x1;
	_ =	strace $0x8000004C;
	[dreg:$0x1] =	wrdreg $0xFFFFFFFF  }
0xa7: {  	s28 =	simm.s32 $_size_execute0_lowered;
	s3 =	sadd.s32 s3, s5;
	[dreg:$0x0] =	wrdreg $0x0  }
0xa8: {  	s5 =	sshll.u32 s28, $0x1;
	[dreg:$0x2] =	wrdreg s3  }
0xa9: {  	[dreg:$0x3] =	wrdreg s5  }
0xaa: {  	[dreg:$0x4] =	wrdreg $0xC0  }
0xab: {  	_ =	task [dreg:s7], $0x5FFFF  }
0xac: {  	[dreg:$0x1] =	wrdreg $0xFFFFFFFF  }
0xad: {  	[dreg:$0x0] =	wrdreg $0x60  }
0xae: {  	[dreg:$0x2] =	wrdreg s24  }
0xaf: {  	[dreg:$0x3] =	wrdreg s2  }
0xb0: {  	[dreg:$0x4] =	wrdreg $0x15F000  }
0xb1: {  	[dreg:$0x5] =	wrdreg $0x10F000  }
0xb2: {  	[dreg:$0x6] =	wrdreg $0x9  }
0xb3: {  	_ =	task.clear_ibuf [dreg:s7], $0x7FFFF;
	_ =	strace $0x9000004C  }
0xb4: {  	s29 =	simm.s32 $0x9;
	_ =	strace $0x8000004E  }
0xb5: {  	_ =	swait.ge [sflag:s29], $0x1  }
0xb6: {  	[sflag:s29] =	ssyncadd.s32 $0xFFFFFFFF  }
0xb7: {  	_ =	strace $0x9000004E  }
0xb8: {  	_ =	sfence  }
0xb9: {  	s30 =	sld [smem:$0x0];
	_ =	sdelay $0x2  }
0xba: {  	s31 =	sshll.u32 s1, $0xD;
	s1 =	sshrl.u32 s1, $0x2  }
0xbb: {  	s3 =	sand.u32 $0x4000, s31;
	s1 =	sadd.s32 s1, s30  }
0xbc: {  	s0 =	sor.u32 s3, s0;
	s1 =	sshll.u32 s1, $0x11  }
0xbd: {  	s0 =	sor.u32 s1, s0  }
0xbe: {  	s0 =	sadd.s32 $0x8F2B, s0  }
0xbf: {  	[sflag:s0] =	ssyncadd.remote.s32 $0x1  }
0xc0: {  	_ =	sfence.sel $0xFFFF  }
0xc1: {  	[dreg:$0x0] =	wrdreg $0xFFFFFFFF;
	(pc) =	sbr.abs _section_cstart, $3  }
0xc2: {  	[dreg:$0x1] =	wrdreg $0xFFFFFFFF  }
0xc3: {  	_ =	task.clear_ibuf [dreg:s7], $0x2FFFF;
	_ =	strace $0x9FFFFFFF  }
0xc4: {  	(tm) =	ssettm $0x7FFFFFFF  }
0xc5: {  	_ =	shalt  }
tec
execute0_lowered:
.L_overlay_start_1:
0x0: {  	(tag) =	ssettag $0x1  }
0x1: {  	s0 =	rddreg [dreg:$0x0]  }
0x2: {  	s1 =	rddreg [dreg:$0x1]  }
0x3: {  	s2 =	rddreg [dreg:$0x2]  }
0x4: {  	s3 =	rddreg [dreg:$0x3];
	s17 =	stileid.u32  }
0x5: {  	s5 =	srdreg.scid;
	s4 =	simm.s32 $0x0;
	s15 =	simm.s32 $0x19  }
0x6: {  	s19 =	simm.s32 $0x4F00;
	s20 =	simm.s32 $0x80;
	s7 =	smul.u32 $0x4E20, s17  }
0x7: {  	s28 =	simm.s32 $0x0;
	s5 =	sand.u32 $0x1, s5;
	s10 =	smul.u32 $0x5000, s17  }
0x8: {  	[smem:$0x7FF] =	sst s4;
	s12 =	smul.u32 $0x14000, s17;
	s31 =	sshll.u32 s17, $0x6  }
0x9: {  	s6 =	smul.u32 $0x50000, s5;
	s9 =	sshll.u32 s5, $0x4;
	_ =	strace $0x8000004D  }
0xa: {  	s5 =	ssub.s32 $0x2, s5;
	s8 =	sshrl.u32 s7, $0x3;
	s9 =	sor.u32 s17, s9  }
0xb: {  	s11 =	sshrl.u32 s5, $0x1;
	s29 =	sshrl.u32 s12, $0x2;
	s16 =	sadd.s32 s7, s2  }
0xc: {  	s30 =	sadd.s32 s10, s3;
	s17 =	sor.u32 $0x1C19, s31;
	s8 =	sadd.s32 s8, s0  }
0xd: {  	s9 =	smul.u32 $0x4F0, s9;
	s6 =	sadd.s32 s10, s6;
	s11 =	ssub.s32 s5, s11  }
0xe: {  	s18 =	sshrl.u32 s16, $0x3;
	s25 =	sshrl.u32 s30, $0x3;
	s6 =	sshrl.u32 s6, $0x3  }
0xf: {  	s7 =	sadd.s32 $0x12E00, s8;
	s8 =	sadd.s32 s29, s3;
	s10 =	smax.u32 s11, $0x1  }
0x10: {  	s13 =	sadd.s32 s9, s0;
	s0 =	sadd.s32 s6, s0;
	s6 =	sadd.s32 s1, s9  }
0x11: {  	s11 =	sadd.s32 $0x1000, s8;
	s12 =	sadd.s32 $0x2000, s8;
	s14 =	sadd.s32 $0x4000, s8  }
0x12: {  	v0 =	vimm.f32 $0.0e+00;
	s5 =	sadd.s32 $0x9000, s13;
	s9 =	sadd.s32 $0x1CC00, s0;
	s13 =	sadd.s32 $0x3000, s8  }
.LBB2_1:
0x13: {  	[tilespmem:s4], [sflag:$0x19] =	stream.linear.gather [hbm4b:s5+s4], $0x2780, $0x38;
	[tilespmem:$0x1AD20] =	vst v63  }
0x14: {  	_ =	swait.ge [sflag:s15], $0x2780  }
0x15: {  	[sflag:s15] =	ssyncset.done $0x0  }
0x16: {  	s0 =	simm.s32 $0x2780;
	[sflag:s15] =	ssyncadd.s32 $0xFFFFD880  }
0x17: {  	[tilespmem:s0], [sflag:$0x19] =	stream.linear.gather [hbm4b:s6+s4], $0x2780, $0x38;
	[tilespmem:$0x1AD20] =	vst v63  }
0x18: {  	_ =	swait.ge [sflag:s15], $0x2780  }
0x19: {  	[sflag:s15] =	ssyncset.done $0x0  }
0x1a: {  	s31 =	sand.u32 $0x3F80, s4;
	[sflag:s15] =	ssyncadd.s32 $0xFFFFD880  }
0x1b: {  	[spmem:s18], [sflag:s17] =	dma.local [hbm:s7], $0x9C4  }
0x1c: {  	s1 =	sand.u32 $0x10, s4;
	s16 =	sshrl.u32 s31, $0x2;
	_ =	swait.ge [sflag:s15], $0x9C4  }
0x1d: {  	s16 =	sor.u32 s1, s16;
	[sflag:s15] =	ssyncset.done $0x0  }
0x1e: {  	s1 =	simm.s32 $0x0;
	s0 =	simm.s32 $0x40;
	[sflag:s15] =	ssyncadd.s32 $0xFFFFF63C  }
.LBB2_2:
0x1f: {  	p0 =	sne.s32 s0, $0x3FC0  }
0x20: {  	[tilespmem:s16+$0x4F00] =	vst v0;
	s1 =	sadd.s32 $0x10, s1;
	s16 =	smov.u32 s0;
	s0 =	sadd.s32 $0x40, s0  }
.Ltmp0:
0x21: {  	(pc) =	sbr.rel @p0 .LBB2_2-.Ltmp0, $4  }
0x22: {  	_ = 	snop  }
0x23: {  	s16 =	sand.u32 $0x3F80, s16  }
0x24: {  	s21 =	sand.u32 $0x10, s1;
	s16 =	sshrl.u32 s16, $0x2  }
0x25: {  	s16 =	sor.u32 s21, s16  }
0x26: {  	[tilespmem:s16+$0x4F00] =	vst v0  }
0x27: {  	[spmem:s8] =	stream.linear.scatter [tilespmem:s19], [sflag:$0x19], $0x1000, $0x38;
	[tilespmem:$0x1AD20] =	vst v63  }
0x28: {  	_ =	swait.ge [sflag:s15], $0x1000  }
0x29: {  	[sflag:s15] =	ssyncset.done $0x0  }
0x2a: {  	[sflag:s15] =	ssyncadd.s32 $0xFFFFF000  }
0x2b: {  	[spmem:s11] =	stream.linear.scatter [tilespmem:s19], [sflag:$0x19], $0x1000, $0x38;
	[tilespmem:$0x1AD20] =	vst v63  }
0x2c: {  	_ =	swait.ge [sflag:s15], $0x1000  }
0x2d: {  	[sflag:s15] =	ssyncset.done $0x0  }
0x2e: {  	[sflag:s15] =	ssyncadd.s32 $0xFFFFF000  }
0x2f: {  	[spmem:s12] =	stream.linear.scatter [tilespmem:s19], [sflag:$0x19], $0x1000, $0x38;
	[tilespmem:$0x1AD20] =	vst v63  }
0x30: {  	_ =	swait.ge [sflag:s15], $0x1000  }
0x31: {  	[sflag:s15] =	ssyncset.done $0x0  }
0x32: {  	[sflag:s15] =	ssyncadd.s32 $0xFFFFF000  }
0x33: {  	[spmem:s13] =	stream.linear.scatter [tilespmem:s19], [sflag:$0x19], $0x1000, $0x38;
	[tilespmem:$0x1AD20] =	vst v63  }
0x34: {  	_ =	swait.ge [sflag:s15], $0x1000  }
0x35: {  	[sflag:s15] =	ssyncset.done $0x0  }
0x36: {  	[sflag:s15] =	ssyncadd.s32 $0xFFFFF000  }
0x37: {  	[spmem:s14] =	stream.linear.scatter [tilespmem:s19], [sflag:$0x19], $0x1000, $0x38;
	[tilespmem:$0x1AD20] =	vst v63  }
0x38: {  	_ =	swait.ge [sflag:s15], $0x1000  }
0x39: {  	[sflag:s15] =	ssyncset.done $0x0  }
0x3a: {  	[sflag:s15] =	ssyncadd.s32 $0xFFFFF000  }
0x3b: {  	s1 =	simm.s32 $0x0;
	[bflag:$0x0] =	sbarrier.arrive $0xFFFF  }
0x3c: {  	[tilespmem:s19], [sflag:$0x1] =	stream.indirect.gather [spmem:s2], $0x20, s1, s20, $0xb8;
	[tilespmem:$0x1AD20] =	vst v63  }
0x3d: {  	s0 =	simm.s32 $0x5F00;
	s24 =	simm.s32 $0x4  }
0x3e: {  	[tilespmem:s0], [sflag:$0x2] =	stream.indirect.gather [spmem:s2], $0x20, s20, s20, $0xb8;
	[tilespmem:$0x1AD20] =	vst v63  }
0x3f: {  	s22 =	simm.s32 $0x100;
	s23 =	simm.s32 $0x6F00;
	s0 =	smul.u32 $0xAB, s24  }
0x40: {  	[tilespmem:s23], [sflag:$0x3] =	stream.indirect.gather [spmem:s2], $0x20, s22, s20, $0xb8;
	[tilespmem:$0x1AD20] =	vst v63  }
0x41: {  	s26 =	simm.s32 $0x180;
	s21 =	simm.s32 $0x7F00;
	s22 =	sshrl.u32 s0, $0xB  }
0x42: {  	p0 =	por $0x0, $0x0;
	s23 =	smul.u32 $0xAB, s1;
	s16 =	sand.u32 $0x1F, s22  }
0x43: {  	[tilespmem:s21], [sflag:$0x4] =	stream.indirect.gather [spmem:s2], $0x20, s26, s20, $0xb8;
	[tilespmem:$0x1AD20] =	vst v63  }
0x44: {  	s29 =	simm.s32 $0x1;
	p1 =	por @!p0 $0x1, $0x1;
	s16 =	smul.u32 $0xC, s16  }
0x45: {  	s30 =	simm.s32 $0x280;
	p1 =	por p1, p0;
	s21 =	sshrl.u32 s23, $0xB  }
0x46: {  	s24 =	simm.s32 @!p0 $0x80;
	s21 =	sand.u32 $0x1F, s21;
	s16 =	ssub.s32 $0x4, s16  }
0x47: {  	s0 =	simm.s32 $0x2780;
	s21 =	smul.u32 $0xC, s21;
	s16 =	sand.u32 $0xFF, s16  }
0x48: {  	s1 =	simm.s32 $0x2;
	s22 =	simm.s32 $0x200;
	s23 =	sadd.s32 @!p1 $0xD, s16  }
0x49: {  	s31 =	sshll.u32 @!p0 s16, $0xC;
	s21 =	ssub.s32 $0x0, s21;
	_ =	swait.ge @!p1 [sflag:s23], $0x1000  }
0x4a: {  	s16 =	sadd.s32 @!p0 $0x1, s16;
	s21 =	sand.u32 $0xFF, s21;
	[sflag:s23] =	ssyncset.done @!p1 $0x0  }
0x4b: {  	s26 =	sadd.s32 $0x1, s21;
	[sflag:s23] =	ssyncadd.s32 @!p1 $0xFFFFF000;
	s23 =	sadd.s32 @!p0 $0x4F00, s31  }
0x4c: {  	[tilespmem:s23], [sflag:s16] =	stream.indirect.gather @!p0 [spmem:s2], $0x20, s22, s24, $0xb8;
	[tilespmem:$0x1AD20] =	vst v63  }
0x4d: {  	s31 =	simm.s32 $0x2800;
	s24 =	sshll.u32 s21, $0xC;
	_ =	swait.ge [sflag:s26], $0x1000  }
0x4e: {  	s16 =	simm.s32 $0x5;
	s22 =	sadd.s32 $0xD, s21;
	[sflag:s26] =	ssyncset.done $0x0  }
0x4f: {  	s21 =	smul.u32 $0xAB, s16;
	s23 =	sadd.s32 $0x4F00, s24;
	[sflag:s26] =	ssyncadd.s32 $0xFFFFF000  }
.LBB2_4:
0x50: {  	[spmem:s3] =	stream.indirect.scatter.add.f32 [tilespmem:s23], [sflag:s22], $0x20, s0, s20, $0xb8;
	[tilespmem:$0x1AD20] =	vst v63  }
0x51: {  	s22 =	smov.u32 s29;
	s29 =	smov.u32 s1;
	s23 =	smov.u32 s30  }
0x52: {  	s1 =	sadd.s32 $0x1, s1;
	s0 =	smov.u32 s31;
	s21 =	sshrl.u32 s21, $0xB  }
0x53: {  	p0 =	sne.s32 s1, $0x4F;
	s24 =	smul.u32 $0xAB, s22;
	s21 =	sand.u32 $0x1F, s21  }
0x54: {  	s21 =	smul.u32 $0xC, s21  }
0x55: {  	p1 =	sgt.u32 s22, $0x4A;
	s24 =	sshrl.u32 s24, $0xB  }
0x56: {  	p2 =	slt.u32 @!p1 s22, $0x8;
	s16 =	ssub.s32 s16, s21;
	s21 =	sand.u32 $0x1F, s24  }
0x57: {  	p2 =	por p2, p1;
	s16 =	sand.u32 $0xFF, s16;
	s21 =	smul.u32 $0xC, s21  }
0x58: {  	s24 =	sadd.s32 @!p2 $0xD, s16;
	s26 =	sshll.u32 @!p1 s16, $0xC;
	s16 =	sadd.s32 @!p1 $0x1, s16  }
0x59: {  	s30 =	sadd.s32 $0x80, s30;
	_ =	swait.ge @!p2 [sflag:s24], $0x1000;
	s21 =	ssub.s32 s22, s21  }
0x5a: {  	s22 =	simm.s32 @!p1 $0x80;
	[sflag:s24] =	ssyncset.done @!p2 $0x0;
	s21 =	sand.u32 $0xFF, s21  }
0x5b: {  	[sflag:s24] =	ssyncadd.s32 @!p2 $0xFFFFF000  }
.Ltmp1:
0x5c: {  	s24 =	sadd.s32 @!p1 $0x4F00, s26;
	s26 =	sadd.s32 $0x1, s21;
	(pc) =	sbr.rel @p0 .LBB2_4-.Ltmp1, $4  }
0x5d: {  	[tilespmem:s24], [sflag:s16] =	stream.indirect.gather @!p1 [spmem:s2], $0x20, s23, s22, $0xb8;
	[tilespmem:$0x1AD20] =	vst v63  }
0x5e: {  	s31 =	sadd.s32 $0x80, s31;
	s23 =	sshll.u32 s21, $0xC;
	_ =	swait.ge [sflag:s26], $0x1000  }
0x5f: {  	s16 =	sadd.s32 $0x4, s29;
	s22 =	sadd.s32 $0xD, s21;
	[sflag:s26] =	ssyncset.done $0x0  }
0x60: {  	s21 =	smul.u32 $0xAB, s16;
	s23 =	sadd.s32 $0x4F00, s23;
	[sflag:s26] =	ssyncadd.s32 $0xFFFFF000  }
0x61: {  	[spmem:s3] =	stream.indirect.scatter.add.f32 [tilespmem:s23], [sflag:s22], $0x20, s0, s20, $0xb8;
	[tilespmem:$0x1AD20] =	vst v63  }
0x62: {  	s23 =	sshrl.u32 s21, $0xB  }
0x63: {  	s1 =	smul.u32 $0xAB, s29;
	s0 =	sand.u32 $0x1F, s23  }
0x64: {  	s0 =	smul.u32 $0xC, s0  }
0x65: {  	p0 =	sgt.u32 s29, $0x4A;
	s1 =	sshrl.u32 s1, $0xB  }
0x66: {  	p1 =	slt.u32 @!p0 s29, $0x8;
	s1 =	sand.u32 $0x1F, s1;
	s0 =	ssub.s32 s16, s0  }
0x67: {  	p1 =	por p1, p0;
	s1 =	smul.u32 $0xC, s1;
	s0 =	sand.u32 $0xFF, s0  }
0x68: {  	s16 =	sadd.s32 @!p1 $0xD, s0  }
0x69: {  	s22 =	simm.s32 @!p0 $0x80;
	s1 =	ssub.s32 s29, s1;
	_ =	swait.ge @!p1 [sflag:s16], $0x1000  }
0x6a: {  	s21 =	sshll.u32 @!p0 s0, $0xC;
	s0 =	sadd.s32 @!p0 $0x1, s0;
	[sflag:s16] =	ssyncset.done @!p1 $0x0  }
0x6b: {  	s1 =	sand.u32 $0xFF, s1;
	[sflag:s16] =	ssyncadd.s32 @!p1 $0xFFFFF000;
	s16 =	sadd.s32 @!p0 $0x4F00, s21  }
0x6c: {  	[tilespmem:s16], [sflag:s0] =	stream.indirect.gather @!p0 [spmem:s2], $0x20, s30, s22, $0xb8;
	[tilespmem:$0x1AD20] =	vst v63  }
0x6d: {  	s24 =	sadd.s32 $0x1, s1;
	s0 =	simm.s32 $0x43  }
0x6e: {  	_ =	swait.ge [sflag:s24], $0x1000;
	s29 =	smul.u32 $0xAB, s0  }
0x6f: {  	s26 =	sshll.u32 s1, $0xC;
	s1 =	sadd.s32 $0xD, s1;
	[sflag:s24] =	ssyncset.done $0x0  }
0x70: {  	s16 =	sadd.s32 $0x4F00, s26;
	[sflag:s24] =	ssyncadd.s32 $0xFFFFF000;
	s30 =	sshrl.u32 s29, $0xB  }
0x71: {  	[spmem:s3] =	stream.indirect.scatter.add.f32 [tilespmem:s16], [sflag:s1], $0x20, s31, s20, $0xb8;
	[tilespmem:$0x1AD20] =	vst v63  }
0x72: {  	s31 =	sand.u32 $0x1F, s30  }
0x73: {  	s1 =	simm.s32 $0x44;
	s16 =	smul.u32 $0xC, s31  }
.LBB2_6:
0x74: {  	s21 =	smul.u32 $0xAB, s1  }
0x75: {  	s16 =	ssub.s32 s0, s16;
	s0 =	smov.u32 s1;
	p0 =	sne.s32 s1, $0x4E  }
.Ltmp2:
0x76: {  	s1 =	sadd.s32 $0x1, s1;
	s16 =	sand.u32 $0xFF, s16;
	(pc) =	sbr.rel @p0 .LBB2_6-.Ltmp2, $4  }
0x77: {  	s21 =	sshrl.u32 s21, $0xB;
	s22 =	sadd.s32 $0xD, s16  }
0x78: {  	s16 =	sand.u32 $0x1F, s21;
	_ =	swait.ge [sflag:s22], $0x1000  }
0x79: {  	s16 =	smul.u32 $0xC, s16;
	[sflag:s22] =	ssyncset.done $0x0  }
0x7a: {  	[sflag:s22] =	ssyncadd.s32 $0xFFFFF000  }
0x7b: {  	s0 =	ssub.s32 s0, s16  }
0x7c: {  	s0 =	sand.u32 $0xFF, s0  }
0x7d: {  	s0 =	sadd.s32 $0xD, s0  }
0x7e: {  	_ =	swait.ge [sflag:s0], $0x1000  }
0x7f: {  	s28 =	sadd.s32 $0x1, s28;
	[sflag:s0] =	ssyncset.done $0x0  }
0x80: {  	p0 =	sne.s32 s28, s10;
	[sflag:s0] =	ssyncadd.s32 $0xFFFFF000  }
.Ltmp3:
0x81: {  	[bflag:$0x0] =	sbarrier.arrive $0xFFFF;
	(pc) =	sbr.rel @p0 .LBB2_1-.Ltmp3, $4  }
0x82: {  	[hbm:s9], [sflag:s17] =	dma.local [spmem:s25], $0xA00  }
0x83: {  	_ =	swait.ge [sflag:s15], $0xA00  }
0x84: {  	[sflag:s15] =	ssyncset.done $0x0  }
0x85: {  	[sflag:s15] =	ssyncadd.s32 $0xFFFFF600  }
0x86: {  	_ =	sfence.sel $0x180000  }
0x87: {  	[bflag:$0x0] =	sbarrier.arrive $0xFFFF  }
0x88: {  	_ =	strace $0x9000004D  }
0x89: {  	s0 =	stileid.u32;
	[bflag:$0x2] =	sbarrier.arrive $0xFFFF  }
0x8a: {  	p0 =	sne.s32 s0, $0x0;
	s0 =	rddreg [dreg:$0x4]  }
0x8b: {  	s0 =	sadd.s32 @!p0 $0x100000, s0  }
0x8c: {  	[sflag:s0] =	ssyncadd.tile.s32 @!p0 $0x1;
	_ =	shalt  }
.Lfunc_end2:
_tile_overlayer_lowered:
.L_overlay_start_2:
0x8d: {  	(tag) =	ssettag $0x2  }
0x8e: {  	s0 =	rddreg [dreg:$0x0];
	s2 =	stileid.u32  }
0x8f: {  	s1 =	rddreg [dreg:$0x1];
	p0 =	sne.s32 s2, $0x0  }
0x90: {  	s3 =	rddreg [dreg:$0x2];
	[bflag:$0x3] =	sbarrier.arrive $0xFFFF;
	s2 =	simm.s32 @!p0 $0x1C19  }
0x91: {  	[timem:s3], [sflag:s2] =	dma.local @!p0 [hbm:s0], s1  }
0x92: {  	s0 =	simm.s32 @!p0 $0x19  }
0x93: {  	_ =	swait.ge @!p0 [sflag:s0], s1  }
0x94: {  	s1 =	ssub.s32 @!p0 $0x0, s1;
	[sflag:s0] =	ssyncset.done @!p0 $0x0  }
0x95: {  	[sflag:s0] =	ssyncadd.s32 @!p0 s1  }
0x96: {  	[bflag:$0x3] =	sbarrier.arrive $0xFFFF  }
0x97: {  	_ =	shalt  }

// kernel: kernel.9.cloned.1.call-start
scs
__scs_entry_jumppad:
0x0: {  	(pc) =	sbr.rel $0x88, $3  }
0x1: {  	(tag) =	ssettag $0x0;
	lr =	simm.s32 $0x1  }
0x2: {  	[smem:$0x3F9B] =	sst lr;
	_ =	strace $0xD0000000  }
0x3: {  	_ = 	snop  }
0x4: {  	_ = 	snop  }
0x5: {  	_ = 	snop  }
0x6: {  	_ = 	snop  }
0x7: {  	_ = 	snop  }
__scs_overlays_trampoline_lowered:
0x8: {  	[smem:$0x3FAA] =	sst s0  }
0x9: {  	[smem:$0x3FAB] =	sst s1  }
0xa: {  	[smem:$0x3FAC] =	sst s2  }
0xb: {  	[smem:$0x3FAD] =	sst s3  }
0xc: {  	[smem:$0x3FAE] =	sst s4  }
0xd: {  	[smem:$0x3FAF] =	sst s5  }
0xe: {  	[smem:$0x3FB0] =	sst s6  }
0xf: {  	[smem:$0x3FB1] =	sst s7  }
0x10: {  	[smem:$0x3FB2] =	sst s8  }
0x11: {  	[smem:$0x3FB3] =	sst s9;
	s0 =	simm.s32 @!p0 $0x0  }
0x12: {  	s1 =	sld [smem:$0x3F99];
	s0 =	simm.s32 @p0 $0x1  }
0x13: {  	[smem:$0x3FB4] =	sst s0;
	s0 =	simm.s32 @!p1 $0x0  }
0x14: {  	s2 =	sld [smem:$0x3F98];
	s0 =	simm.s32 @p1 $0x1  }
0x15: {  	[smem:$0x3FB5] =	sst s0;
	s0 =	simm.s32 @!p2 $0x0  }
0x16: {  	s3 =	sld [smem:$0x3FDB];
	s0 =	simm.s32 @p2 $0x1  }
0x17: {  	s4 =	simm.s32 $0x1BF5;
	[smem:$0x3FB7] =	sst s0  }
0x18: {  	s0 =	sld [smem:$0x3F9A];
	_ =	swait.ge [sflag:s4], $0x0  }
0x19: {  	s7 =	sld [smem:$0x3F9B]  }
0x1a: {  	s8 =	sadd.s32 $0xFFFFE003, lr  }
0x1b: {  	s9 =	sadd.s32 $0xFFFFFEF7, lr;
	s5 =	simm.s32 $0xFFFFFFFF;
	p2 =	slt.u32 s8, $0xFFFFF086  }
0x1c: {  	p1 =	slt.u32 s9, $0xF7A;
	s5 =	simm.s32 @!p2 $0x0  }
0x1d: {  	s5 =	simm.s32 @p1 $0x1;
	p0 =	seq.s32 s7, s2  }
0x1e: {  	s7 =	smul.u32 @!p0 $0xF7A, s2;
	p2 =	seq.s32 @!p0 s5, $0x0  }
0x1f: {  	s9 =	smul.u32 $0xF7A, s1;
	s8 =	simm.s32 @!p0 $0x1BF5;
	p2 =	por !p2, p0  }
0x20: {  	[sflag:s8] =	ssyncset.s32 @!p0 $0xFFFFF086;
	s6 =	sadd.s32 @!p0 s3, s7;
	s7 =	simm.s32 @!p0 $0x108  }
0x21: {  	s3 =	sadd.s32 s3, s9;
	s6 =	sadd.s32 @!p0 $0x88, s6;
	s7 =	simm.s32 @p2 $0x1082  }
0x22: {  	[simem:s7], [sflag:s8] =	dma.local @!p0 [hbm:s6], $0xF7A  }
0x23: {  	s9 =	sor.u32 $0xD0000000, s2;
	s6 =	simm.s32 $0x108;
	_ =	swait.ge @!p0 [sflag:s8], $0x0  }
0x24: {  	s3 =	sadd.s32 $0x88, s3;
	s6 =	simm.s32 @!p1 $0x1082;
	[sflag:s4] =	ssyncset.s32 $0xFFFFF086  }
0x25: {  	[simem:s6], [sflag:s4] =	dma.local [hbm:s3], $0xF7A  }
0x26: {  	[smem:$0x3F9B] =	sst s1;
	(tag) =	ssettag s2;
	_ =	strace s9  }
0x27: {  	s1 =	sld [smem:$0x3FAB]  }
0x28: {  	s2 =	sld [smem:$0x3FAC]  }
0x29: {  	s4 =	sld [smem:$0x3FAE]  }
0x2a: {  	p0 =	seq.s32 s5, $0x0;
	s5 =	sld [smem:$0x3FAF]  }
0x2b: {  	s6 =	sld [smem:$0x3FB0]  }
0x2c: {  	s7 =	sld [smem:$0x3FB1]  }
0x2d: {  	s3 =	simm.s32 $0x108;
	s8 =	sld [smem:$0x3FB2]  }
0x2e: {  	s3 =	simm.s32 @!p0 $0x1082;
	s9 =	sld [smem:$0x3FB3]  }
0x2f: {  	lr =	sadd.s32 s0, s3;
	s0 =	sld [smem:$0x3FAA]  }
0x30: {  	s3 =	sld [smem:$0x3FAD]  }
0x31: {  	[smem:$0x3FB6] =	sst s10  }
0x32: {  	s10 =	sld [smem:$0x3FB4];
	_ =	sdelay $0x3  }
0x33: {  	p0 =	seq.s32 s10, $0x1;
	s10 =	sld [smem:$0x3FB6];
	_ =	sdelay $0x3  }
0x34: {  	[smem:$0x3FB6] =	sst s10  }
0x35: {  	s10 =	sld [smem:$0x3FB5];
	_ =	sdelay $0x3  }
0x36: {  	p1 =	seq.s32 s10, $0x1;
	s10 =	sld [smem:$0x3FB6];
	_ =	sdelay $0x3  }
0x37: {  	[smem:$0x3FB6] =	sst s10  }
0x38: {  	s10 =	sld [smem:$0x3FB7]  }
0x39: {  	_ = 	snop;
	(pc) =	sbr.ind lr, $3  }
0x3a: {  	_ = 	snop  }
0x3b: {  	_ = 	snop  }
0x3c: {  	p2 =	seq.s32 s10, $0x1;
	s10 =	sld [smem:$0x3FB6]  }
0x3d: {  	_ =	shalt  }
0x3e: {  	_ =	shalt  }
0x3f: {  	_ =	shalt  }
0x40: {  	_ =	shalt  }
0x41: {  	_ =	shalt  }
0x42: {  	_ =	shalt  }
0x43: {  	_ =	shalt  }
0x44: {  	_ =	shalt  }
0x45: {  	_ =	shalt  }
0x46: {  	_ =	shalt  }
0x47: {  	_ =	shalt  }
0x48: {  	_ =	shalt  }
0x49: {  	_ =	shalt  }
0x4a: {  	_ =	shalt  }
0x4b: {  	_ =	shalt  }
0x4c: {  	_ =	shalt  }
0x4d: {  	_ =	shalt  }
0x4e: {  	_ =	shalt  }
0x4f: {  	_ =	shalt  }
0x50: {  	_ =	shalt  }
0x51: {  	_ =	shalt  }
0x52: {  	_ =	shalt  }
0x53: {  	_ =	shalt  }
0x54: {  	_ =	shalt  }
0x55: {  	_ =	shalt  }
0x56: {  	_ =	shalt  }
0x57: {  	_ =	shalt  }
0x58: {  	_ =	shalt  }
0x59: {  	_ =	shalt  }
0x5a: {  	_ =	shalt  }
0x5b: {  	_ =	shalt  }
0x5c: {  	_ =	shalt  }
0x5d: {  	_ =	shalt  }
0x5e: {  	_ =	shalt  }
0x5f: {  	_ =	shalt  }
0x60: {  	_ =	shalt  }
0x61: {  	_ =	shalt  }
0x62: {  	_ =	shalt  }
0x63: {  	_ =	shalt  }
0x64: {  	_ =	shalt  }
0x65: {  	_ =	shalt  }
0x66: {  	_ =	shalt  }
0x67: {  	_ =	shalt  }
0x68: {  	_ =	shalt  }
0x69: {  	_ =	shalt  }
0x6a: {  	_ =	shalt  }
0x6b: {  	_ =	shalt  }
0x6c: {  	_ =	shalt  }
0x6d: {  	_ =	shalt  }
0x6e: {  	_ =	shalt  }
0x6f: {  	_ =	shalt  }
0x70: {  	_ =	shalt  }
0x71: {  	_ =	shalt  }
0x72: {  	_ =	shalt  }
0x73: {  	_ =	shalt  }
0x74: {  	_ =	shalt  }
0x75: {  	_ =	shalt  }
0x76: {  	_ =	shalt  }
0x77: {  	_ =	shalt  }
0x78: {  	_ =	shalt  }
0x79: {  	_ =	shalt  }
0x7a: {  	_ =	shalt  }
0x7b: {  	_ =	shalt  }
0x7c: {  	_ =	shalt  }
0x7d: {  	_ =	shalt  }
0x7e: {  	_ =	shalt  }
0x7f: {  	_ =	shalt  }
0x80: {  	_ =	shalt  }
0x81: {  	_ =	shalt  }
0x82: {  	_ =	shalt  }
0x83: {  	_ =	shalt  }
0x84: {  	_ =	shalt  }
0x85: {  	_ =	shalt  }
0x86: {  	_ =	shalt  }
0x87: {  	_ =	shalt  }
.Lfunc_end0:
.L_simem_size_0:
called_computation_lowered:
.L_overlay_start_0:
0x88: {  	s2 =	sld [smem:$0x3FD9]  }
0x89: {  	s3 =	sld [smem:$0x3FFE];
	_ =	sdelay $0x1  }
0x8a: {  	s1 =	srdreg.scid  }
0x8b: {  	s0 =	sand.u32 $0x1, s1  }
0x8c: {  	s17 =	sshll.u32 s0, $0xA;
	s2 =	sadd.s32 s3, s2  }
0x8d: {  	s2 =	sadd.s32 s2, s17  }
0x8e: {  	[smem:$0x3FC2] =	sst s2  }
0x8f: {  	_ = 	snop  }
0x90: {  	s2 =	sld [smem:$0x3FD0];
	(tm) =	ssettm $0x1  }
0x91: {  	s18 =	sld [smem:$0x3FFB];
	_ =	sdelay $0x3  }
0x92: {  	_ =	strace s18  }
0x93: {  	s3 =	sld [smem:$0x3FFC];
	_ =	sdelay $0x3  }
0x94: {  	_ =	strace s3  }
0x95: {  	s3 =	sld [smem:$0x3FFD];
	_ =	sdelay $0x3  }
0x96: {  	_ =	strace s3  }
0x97: {  	_ =	strace $0x8FFFFFFF  }
0x98: {  	s19 =	sld [smem:$0x3FDB];
	_ =	sdelay $0x1  }
0x99: {  	s4 =	simm.s32 $_scs_section_size  }
0x9a: {  	s5 =	simm.s32 $_size__tile_overlayer_lowered;
	s6 =	simm.s32 $_tile_overlayer_lowered  }
0x9b: {  	s22 =	simm.s32 $0x1BFF;
	s21 =	sshll.u32 s6, $0x1;
	s3 =	sadd.s32 s4, s19  }
0x9c: {  	s7 =	simm.s32 $0x0;
	s20 =	sshll.u32 s5, $0x1;
	s5 =	sadd.s32 s21, s3  }
0x9d: {  	[timem:s7], [sflag:s22] =	dma.local [hbm:s5], s20  }
0x9e: {  	_ =	swait.ge [sflag:s22], s20  }
0x9f: {  	s4 =	ssub.s32 $0x0, s20;
	[sflag:s22] =	ssyncset.done $0x0  }
0xa0: {  	[sflag:s22] =	ssyncadd.s32 s4;
	_ =	sdelay $0x1  }
0xa1: {  	s23 =	simm.s32 $0x1B8B  }
0xa2: {  	_ =	swait.ge [sflag:s23], $0x1  }
0xa3: {  	[sflag:s23] =	ssyncset.done $0x0  }
0xa4: {  	s25 =	simm.s32 $0x1B8E;
	s24 =	sld [smem:$0x3FFE];
	[sflag:s23] =	ssyncadd.s32 $0xFFFFFFFF  }
0xa5: {  	s26 =	simm.s32 $execute0_lowered;
	[smem:$0x3FD2] =	sst s25  }
0xa6: {  	s5 =	sshll.u32 s26, $0x1;
	_ =	strace $0x80000046;
	[dreg:$0x1] =	wrdreg $0xFFFFFFFF  }
0xa7: {  	s28 =	simm.s32 $_size_execute0_lowered;
	s3 =	sadd.s32 s3, s5;
	[dreg:$0x0] =	wrdreg $0x0  }
0xa8: {  	s5 =	sshll.u32 s28, $0x1;
	[dreg:$0x2] =	wrdreg s3  }
0xa9: {  	[dreg:$0x3] =	wrdreg s5  }
0xaa: {  	[dreg:$0x4] =	wrdreg $0xC0  }
0xab: {  	_ =	task [dreg:s7], $0x5FFFF  }
0xac: {  	[dreg:$0x1] =	wrdreg $0xFFFFFFFF  }
0xad: {  	[dreg:$0x0] =	wrdreg $0x60  }
0xae: {  	[dreg:$0x2] =	wrdreg s2  }
0xaf: {  	[dreg:$0x3] =	wrdreg s24  }
0xb0: {  	[dreg:$0x4] =	wrdreg $0x2B800  }
0xb1: {  	[dreg:$0x5] =	wrdreg $0x9  }
0xb2: {  	_ =	task.clear_ibuf [dreg:s7], $0x6FFFF;
	_ =	strace $0x90000046  }
0xb3: {  	s29 =	simm.s32 $0x9;
	_ =	strace $0x80000048  }
0xb4: {  	_ =	swait.ge [sflag:s29], $0x1  }
0xb5: {  	[sflag:s29] =	ssyncadd.s32 $0xFFFFFFFF  }
0xb6: {  	_ =	strace $0x90000048  }
0xb7: {  	_ =	sfence  }
0xb8: {  	s30 =	sld [smem:$0x0];
	_ =	sdelay $0x2  }
0xb9: {  	s31 =	sshll.u32 s1, $0xD;
	s1 =	sshrl.u32 s1, $0x2  }
0xba: {  	s3 =	sand.u32 $0x4000, s31;
	s1 =	sadd.s32 s1, s30  }
0xbb: {  	s0 =	sor.u32 s3, s0;
	s1 =	sshll.u32 s1, $0x11  }
0xbc: {  	s0 =	sor.u32 s1, s0  }
0xbd: {  	s0 =	sadd.s32 $0x8F2B, s0  }
0xbe: {  	[sflag:s0] =	ssyncadd.remote.s32 $0x1  }
0xbf: {  	_ =	sfence.sel $0xFFFF  }
0xc0: {  	[dreg:$0x0] =	wrdreg $0xFFFFFFFF;
	(pc) =	sbr.abs _section_cstart, $3  }
0xc1: {  	[dreg:$0x1] =	wrdreg $0xFFFFFFFF  }
0xc2: {  	_ =	task.clear_ibuf [dreg:s7], $0x2FFFF;
	_ =	strace $0x9FFFFFFF  }
0xc3: {  	(tm) =	ssettm $0x7FFFFFFF  }
tec
execute0_lowered:
.L_overlay_start_1:
0x0: {  	(tag) =	ssettag $0x1  }
0x1: {  	s5 =	rddreg [dreg:$0x0]  }
0x2: {  	s6 =	rddreg [dreg:$0x1]  }
0x3: {  	s2 =	rddreg [dreg:$0x2]  }
0x4: {  	s0 =	rddreg [dreg:$0x3]  }
0x5: {  	s3 =	simm.s32 $0x0;
	s1 =	stileid.u32;
	s4 =	srdreg.scid  }
0x6: {  	s13 =	simm.s32 $0x80;
	s14 =	simm.s32 $0x1;
	s15 =	simm.s32 $0x0  }
0x7: {  	[smem:$0x7FF] =	sst s3;
	s7 =	smul.u32 $0x1400, s1;
	s8 =	sand.u32 $0x1, s4  }
0x8: {  	s4 =	sadd.s32 $0x3E00, s6;
	s31 =	sshll.u32 s1, $0x6;
	_ =	strace $0x80000047  }
0x9: {  	s9 =	smul.u32 $0x14000, s8;
	s10 =	sshll.u32 s8, $0x4;
	s8 =	ssub.s32 $0x2, s8  }
0xa: {  	s11 =	sshrl.u32 s7, $0x3;
	s10 =	sor.u32 s1, s10;
	s12 =	sshrl.u32 s8, $0x1  }
0xb: {  	s30 =	sadd.s32 s7, s2;
	s9 =	sadd.s32 s7, s9;
	s10 =	smul.u32 $0x4F0, s10  }
0xc: {  	s11 =	sadd.s32 s11, s6;
	s8 =	ssub.s32 s8, s12;
	s9 =	sshrl.u32 s9, $0x3  }
0xd: {  	s12 =	sshrl.u32 s30, $0x3;
	s8 =	smax.u32 s8, $0x1;
	s9 =	sadd.s32 s9, s6  }
0xe: {  	s5 =	sadd.s32 s5, s10;
	s6 =	sadd.s32 $0x1600, s11;
	s10 =	simm.s32 $0x2780  }
0xf: {  	s11 =	sor.u32 $0x1C02, s31;
	s7 =	sadd.s32 $0x4000, s9;
	s9 =	simm.s32 $0x2  }
.LBB2_1:
0x10: {  	[tilespmem:s3], [sflag:$0x2] =	stream.linear.gather [hbm4b:s5+s3], $0x2780, $0x38;
	[tilespmem:$0x3F80] =	vst v63  }
0x11: {  	_ =	swait.ge [sflag:s9], $0x2780  }
0x12: {  	[sflag:s9] =	ssyncset.done $0x0  }
0x13: {  	[sflag:s9] =	ssyncadd.s32 $0xFFFFD880  }
0x14: {  	[tilespmem:s10], [sflag:$0x2] =	stream.linear.gather [hbm4b:s4+s3], $0x400, $0x38;
	[tilespmem:$0x3F80] =	vst v63  }
0x15: {  	_ =	swait.ge [sflag:s9], $0x400  }
0x16: {  	[sflag:s9] =	ssyncset.done $0x0  }
0x17: {  	[sflag:s9] =	ssyncadd.s32 $0xFFFFFC00  }
0x18: {  	[spmem:s12], [sflag:s11] =	dma.local [hbm:s6], $0x280  }
0x19: {  	_ =	swait.ge [sflag:s9], $0x280  }
0x1a: {  	[sflag:s9] =	ssyncset.done $0x0  }
0x1b: {  	[sflag:s9] =	ssyncadd.s32 $0xFFFFFD80  }
0x1c: {  	s16 =	simm.s32 $0x0;
	[bflag:$0x0] =	sbarrier.arrive $0xFFFF  }
.LBB2_2:
0x1d: {  	p0 =	sne.s32 s16, $0x9C00  }
.Ltmp0:
0x1e: {  	_ = 	snop;
	(pc) =	sbr.rel @p0 .LBB2_2-.Ltmp0, $3  }
0x1f: {  	_ =	sdelay $0x1  }
0x20: {  	s17 =	sshra.s32 s16, $0x2;
	s16 =	sadd.s32 $0x200, s16  }
0x21: {  	[spmem:s2] =	stream.indirect.scatter.add.f32 [tilespmem:s10], [sflag:$0x1], $0x8, s17, s13, $0xb8;
	[tilespmem:$0x3F80] =	vst v63  }
0x22: {  	_ =	swait.ge [sflag:s14], $0x400  }
0x23: {  	s16 =	simm.s32 $0x4E;
	[sflag:s14] =	ssyncset.done $0x0  }
.LBB2_4:
0x24: {  	p0 =	sne.s32 s16, $0x1;
	s16 =	sadd.s32 $0xFFFFFFFF, s16;
	[sflag:s14] =	ssyncadd.s32 $0xFFFFFC00  }
.Ltmp1:
0x25: {  	(pc) =	sbr.rel @p0 .LBB2_4-.Ltmp1, $3  }
0x26: {  	_ =	sdelay $0x1  }
0x27: {  	_ =	swait.ge [sflag:s14], $0x400  }
0x28: {  	[sflag:s14] =	ssyncset.done $0x0  }
0x29: {  	s15 =	sadd.s32 $0x1, s15  }
0x2a: {  	[sflag:s14] =	ssyncadd.s32 $0xFFFFFC00;
	p0 =	sne.s32 s15, s8  }
.Ltmp2:
0x2b: {  	[bflag:$0x0] =	sbarrier.arrive $0xFFFF;
	(pc) =	sbr.rel @p0 .LBB2_1-.Ltmp2, $4  }
0x2c: {  	[hbm:s7], [sflag:s11] =	dma.local [spmem:s12], $0x280  }
0x2d: {  	_ =	swait.ge [sflag:s9], $0x280  }
0x2e: {  	[sflag:s9] =	ssyncset.done $0x0  }
0x2f: {  	[sflag:s9] =	ssyncadd.s32 $0xFFFFFD80  }
0x30: {  	_ =	sfence.sel $0x180000  }
0x31: {  	[bflag:$0x0] =	sbarrier.arrive $0xFFFF  }
0x32: {  	p0 =	sne.s32 s1, $0x0;
	_ =	strace $0x90000047  }
0x33: {  	s0 =	sadd.s32 @!p0 $0x100000, s0;
	[bflag:$0x2] =	sbarrier.arrive $0xFFFF  }
0x34: {  	[sflag:s0] =	ssyncadd.tile.s32 @!p0 $0x1;
	_ =	shalt  }
.Lfunc_end2:
_tile_overlayer_lowered:
.L_overlay_start_2:
0x35: {  	(tag) =	ssettag $0x2  }
0x36: {  	s0 =	rddreg [dreg:$0x0];
	s2 =	stileid.u32  }
0x37: {  	s1 =	rddreg [dreg:$0x1];
	p0 =	sne.s32 s2, $0x0  }
0x38: {  	s3 =	rddreg [dreg:$0x2];
	[bflag:$0x3] =	sbarrier.arrive $0xFFFF;
	s2 =	simm.s32 @!p0 $0x1C02  }
0x39: {  	[timem:s3], [sflag:s2] =	dma.local @!p0 [hbm:s0], s1  }
0x3a: {  	s0 =	simm.s32 @!p0 $0x2  }
0x3b: {  	_ =	swait.ge @!p0 [sflag:s0], s1  }
0x3c: {  	s1 =	ssub.s32 @!p0 $0x0, s1;
	[sflag:s0] =	ssyncset.done @!p0 $0x0  }
0x3d: {  	[sflag:s0] =	ssyncadd.s32 @!p0 s1  }
0x3e: {  	[bflag:$0x3] =	sbarrier.arrive $0xFFFF  }
0x3f: {  	_ =	shalt  }

</sc_bundles>
